<compile_context>
chip_gen: v7x
topology: tpu7x:2x2x1
jax: 0.10.2.dev20260603
libtpu: 0.0.44.dev20260713+nightly
codegen_flags: <defaults>
</compile_context>

<pallas_src>
import functools

import jax
import jax.numpy as jnp
from jax import lax
from jax.experimental import pallas as pl
from jax.experimental.pallas import tpu as pltpu
from jax.experimental.pallas import tpu_sc as plsc

B, Fc, Z, K, H, W = 8, 192, 32, 1024, 56, 56
S = H * W
N = B * S
NB = 14
T = N // NB

_NC, _NS = 2, 16
_NW = _NC * _NS
_BPW = N // _NW
_CHUNK = 112
_NCHUNK = _BPW // _CHUNK

_bf16 = jnp.bfloat16


def _dotbf(a, b, dims):
    return lax.dot_general(a.astype(_bf16), b.astype(_bf16), dims,
                           preferred_element_type=jnp.float32)


def _conv_only_body(m_ref, s_ref, g_ref, bt_ref, w1_ref, b1_ref, w2_ref,
                    b2_ref, x_ref, z_ref):
    xb = x_ref[0]
    xn = ((xb - m_ref[...]) / s_ref[...]) * g_ref[...] + bt_ref[...]
    x1 = _dotbf(w1_ref[...], xn, (((1,), (0,)), ((), ()))) + b1_ref[...]
    x2 = _dotbf(w2_ref[...], x1, (((1,), (0,)), ((), ()))) + b2_ref[...]
    z_ref[...] = x2[None]


def _vq_body(emb_ref, zf_ref, idx_ref, acc_ref):
    e = emb_ref[...]
    zb = zf_ref[...]
    g = _dotbf(e, zb, (((1,), (1,)), ((), ())))
    e2 = jnp.sum(e * e, axis=1)
    d = e2[:, None] - 2.0 * g
    m1 = jnp.min(d, axis=0)
    idx = jnp.argmin(d, axis=0).astype(jnp.int32)
    idx_ref[...] = idx[None, None, :]
    part = jnp.sum(m1) + jnp.sum(zb * zb)
    i = pl.program_id(0)

    @pl.when(i == 0)
    def _init():
        acc_ref[...] = jnp.full((1, 128), part, jnp.float32)

    @pl.when(i != 0)
    def _acc():
        acc_ref[...] += part


def _acos(x):
    ax = jnp.abs(x)
    p = jnp.float32(-0.0012624911)
    for c in (0.0066700901, -0.0170881256, 0.0308918810, -0.0501743046,
              0.0889789874, -0.2145988016, 1.5707963050):
        p = p * ax + jnp.float32(c)
    res = jnp.sqrt(jnp.maximum(1.0 - ax, 0.0)) * p
    return jnp.where(x >= 0, res, jnp.float32(3.14159265358979) - res)


def _cb_body(emb_ref, r_ref, out_ref):
    e = emb_ref[...]
    d1 = _dotbf(e, e, (((1,), (1,)), ((), ())))
    ed2 = jnp.sum(e * e, axis=1)
    ed = jnp.sqrt(ed2)
    ed3 = ed[:, None] * ed[None, :]
    edx = jnp.clip(d1 / ed3, -0.99999, 0.99999)
    d1a = _acos(edx)
    m1 = jnp.min(d1a, axis=0)
    rid = lax.broadcasted_iota(jnp.int32, (K, K), 0)
    am = jnp.min(jnp.where(d1a == m1[None, :], rid, K), axis=0)
    d1b = jnp.where(rid == am[None, :], 4.0, d1a)
    m2 = jnp.min(d1b, axis=0)
    tmd = jnp.mean(m2)
    rm = jnp.mean(d1a, axis=1)
    dev = d1a - rm[:, None]
    cbvar = jnp.mean(jnp.sum(dev * dev, axis=1) / (K - 1))
    rr = r_ref[0]
    hsw = jnp.mean((rr - ed) ** 2)
    rcm = jnp.mean(jnp.clip(rr, 0.9, 1.1))
    lane = lax.broadcasted_iota(jnp.int32, (1, 128), 1)
    v = jnp.where(lane == 0, tmd,
                  jnp.where(lane == 1, cbvar,
                            jnp.where(lane == 2, hsw, rcm)))
    out_ref[...] = v


@functools.cache
def _build_sc_gather():
    mesh = plsc.VectorSubcoreMesh(core_axis_name="c", subcore_axis_name="s",
                                  num_cores=_NC, num_subcores=_NS)

    @functools.partial(
        pl.kernel, mesh=mesh,
        out_type=jax.ShapeDtypeStruct((N, Z), jnp.float32),
        compiler_params=pltpu.CompilerParams(use_tc_tiling_on_sc=False),
        scratch_types=[
            pltpu.VMEM((_BPW,), jnp.int32),
            pltpu.VMEM((_BPW, Z), jnp.float32),
            pltpu.SemaphoreType.DMA,
        ],
    )
    def _sc_gather(emb_hbm, idx_hbm, out_hbm, idx_v, rows_v, sem):
        wid = lax.axis_index("s") * _NC + lax.axis_index("c")
        base = wid * _BPW
        pltpu.sync_copy(idx_hbm.at[pl.ds(base, _BPW)], idx_v)
        cps = [
            pltpu.async_copy(
                emb_hbm.at[idx_v.at[pl.ds(i * _CHUNK, _CHUNK)]],
                rows_v.at[pl.ds(i * _CHUNK, _CHUNK), :], sem)
            for i in range(_NCHUNK)
        ]
        for c in cps:
            c.wait()
        pltpu.sync_copy(rows_v, out_hbm.at[pl.ds(base, _BPW)])

    return _sc_gather


def _tc_pipeline(x, gamma1, beta1, conv1_w, conv1_b, conv2_w, conv2_b, emb):
    f32 = jnp.float32
    x3 = x.reshape(B, Fc, S)
    col = lambda v: v.reshape(-1, 1)

    m = x.mean(axis=(0, 2, 3), keepdims=True)
    v = x.var(axis=(0, 2, 3), keepdims=True)
    mean = m.reshape(Fc, 1)
    std = jnp.sqrt(v + 1e-5).reshape(Fc, 1)

    z = pl.pallas_call(
        _conv_only_body,
        grid=(B,),
        in_specs=[
            pl.BlockSpec((Fc, 1), lambda i: (0, 0)),
            pl.BlockSpec((Fc, 1), lambda i: (0, 0)),
            pl.BlockSpec((Fc, 1), lambda i: (0, 0)),
            pl.BlockSpec((Fc, 1), lambda i: (0, 0)),
            pl.BlockSpec((Z, Fc), lambda i: (0, 0)),
            pl.BlockSpec((Z, 1), lambda i: (0, 0)),
            pl.BlockSpec((Z, Z), lambda i: (0, 0)),
            pl.BlockSpec((Z, 1), lambda i: (0, 0)),
            pl.BlockSpec((1, Fc, S), lambda i: (i, 0, 0)),
        ],
        out_specs=pl.BlockSpec((1, Z, S), lambda i: (i, 0, 0)),
        out_shape=jax.ShapeDtypeStruct((B, Z, S), f32),
    )(mean, std, col(gamma1), col(beta1), conv1_w, col(conv1_b),
      conv2_w, col(conv2_b), x3)
    zf = z.reshape(N, Z)

    idx3, acc = pl.pallas_call(
        _vq_body,
        grid=(NB,),
        in_specs=[
            pl.BlockSpec((K, Z), lambda i: (0, 0)),
            pl.BlockSpec((T, Z), lambda i: (i, 0)),
        ],
        out_specs=[
            pl.BlockSpec((1, 1, T), lambda i: (i, 0, 0)),
            pl.BlockSpec((1, 128), lambda i: (0, 0)),
        ],
        out_shape=[
            jax.ShapeDtypeStruct((NB, 1, T), jnp.int32),
            jax.ShapeDtypeStruct((1, 128), f32),
        ],
    )(emb, zf)
    idx = idx3.reshape(N)
    mse = acc[0, 0] / float(N * Z)
    return idx, mse


def kernel(x, gamma1, beta1, conv1_w, conv1_b, gamma2, beta2, conv2_w,
           conv2_b, emb, r):
    f32 = jnp.float32
    idx, mse = _tc_pipeline(x, gamma1, beta1, conv1_w, conv1_b, conv2_w,
                            conv2_b, emb)

    stats = pl.pallas_call(
        _cb_body,
        in_specs=[
            pl.BlockSpec((K, Z), lambda: (0, 0)),
            pl.BlockSpec((1, K), lambda: (0, 0)),
        ],
        out_specs=pl.BlockSpec((1, 128), lambda: (0, 0)),
        out_shape=jax.ShapeDtypeStruct((1, 128), f32),
    )(emb, r.reshape(1, K))
    tmd = stats[0, 0]
    cbvar = stats[0, 1]
    hsw = stats[0, 2]
    rcm = stats[0, 3]

    zq_flat = _build_sc_gather()(emb, idx)
    z_q = zq_flat.reshape(B, Z, H, W)

    cb_loss = jnp.zeros((), f32)
    loss = 2.0 * mse + hsw + (cbvar - tmd)
    return (loss, z_q, cbvar, tmd, hsw, cb_loss, rcm)

# --- scband reference (transcript-rebuilt; emitter-appended) ---
"""Pipeline reference for scband-vqmodulator-74509092651500 (READ-ONLY COPY).

The authoritative reference and input builder live on the scoring server;
editing this copy changes nothing except your own understanding.
"""

import jax, jax.numpy as jnp
import numpy as np

B, Fc, Z, K, H, W = 8, 192, 32, 1024, 56, 56

def setup_inputs(seed: int = 0):
    key = jax.random.key(seed)
    ks = jax.random.split(key, 6)
    x = jax.random.normal(ks[0], (B, Fc, H, W), jnp.float32)
    gamma1 = jnp.ones((Fc,), jnp.float32); beta1 = jnp.zeros((Fc,), jnp.float32)
    conv1_w = jax.random.normal(ks[1], (Z, Fc), jnp.float32) / np.sqrt(Fc)
    conv1_b = jnp.zeros((Z,), jnp.float32)
    gamma2 = jnp.ones((Z,), jnp.float32); beta2 = jnp.zeros((Z,), jnp.float32)
    conv2_w = jax.random.normal(ks[2], (Z, Z), jnp.float32) / np.sqrt(Z)
    conv2_b = jnp.zeros((Z,), jnp.float32)
    emb = jax.random.normal(ks[3], (K, Z), jnp.float32)
    emb = emb / jnp.linalg.norm(emb, axis=1, keepdims=True)
    r = jnp.ones((K,), jnp.float32)
    return {'x': x, 'gamma1': gamma1, 'beta1': beta1, 'conv1_w': conv1_w, 'conv1_b': conv1_b,
            'gamma2': gamma2, 'beta2': beta2, 'conv2_w': conv2_w, 'conv2_b': conv2_b,
            'emb': emb, 'r': r}

def _bn(x, g, b):
    m = x.mean(axis=(0, 2, 3), keepdims=True)
    v = x.var(axis=(0, 2, 3), keepdims=True)
    return (x - m) / jnp.sqrt(v + 1e-5) * g[None, :, None, None] + b[None, :, None, None]

def _forward(x, gamma1, beta1, conv1_w, conv1_b, gamma2, beta2, conv2_w, conv2_b, emb, r):
    x1 = _bn(x, gamma1, beta1)
    x1 = jnp.einsum('bchw,oc->bohw', x1, conv1_w) + conv1_b[None, :, None, None]
    _x2n = _bn(x1, gamma2, beta2)  # computed then discarded, matching original forward
    x2 = jnp.einsum('bchw,oc->bohw', x1, conv2_w) + conv2_b[None, :, None, None]
    z = x2
    zf = z.reshape(-1, Z)
    d1 = emb @ emb.T
    ed = jnp.linalg.norm(emb, axis=1)
    ed3 = ed[None, :] * ed[:, None]
    edx = jnp.clip(d1 / ed3, -0.99999, 0.99999)
    d1a = jnp.arccos(edx)
    tmd = jnp.mean(jnp.sort(d1a, axis=0)[1])  # kthvalue(d1, 2, dim=0) values, then mean
    cbvar = jnp.mean(jnp.var(d1a, axis=1, ddof=1))
    d = jnp.sum(zf ** 2, axis=1, keepdims=True) + jnp.sum(emb ** 2, axis=1) - 2.0 * (zf @ emb.T)
    idx = jnp.argmin(d, axis=1)
    z_q = jnp.take(emb, idx, axis=0).reshape(z.shape)
    hsn = jnp.linalg.norm(emb, axis=1)
    hsw = jnp.mean(jnp.square(r - hsn))
    r_c = r + jax.lax.stop_gradient(jnp.clip(r, 0.9, 1.1) - r)  # Clamp with straight-through grad
    loss = jnp.mean((jax.lax.stop_gradient(z_q) - z) ** 2)
    loss = loss + 1.0 * jnp.mean((z_q - jax.lax.stop_gradient(z)) ** 2)  # beta=1.0, legacy, not ignorezq
    cb_loss = jnp.zeros(())  # prev_cb is None
    loss = loss + cb_loss + hsw + (cbvar - tmd)  # disentangle=True
    z_q_st = z + jax.lax.stop_gradient(z_q - z)
    return (loss, z_q_st, cbvar, tmd, hsw, cb_loss, jnp.mean(r_c))

def reference(x, gamma1, beta1, conv1_w, conv1_b, gamma2, beta2, conv2_w, conv2_b, emb, r):
    return _forward(x, gamma1, beta1, conv1_w, conv1_b, gamma2, beta2, conv2_w, conv2_b, emb, r)

if __name__ == "__main__":
    import jax
    _d = setup_inputs()
    print(jax.jit(kernel)(*tuple(_d.values())))

</pallas_src>

<mosaic_0001>
#map = affine_map<(d0, d1) -> (0, 0)>
#map1 = affine_map<(d0, d1) -> (0)>
module attributes {stable_mosaic.version = 14 : i64} {
  func.func @_sc_gather(%arg0: i32, %arg1: i32, %arg2: memref<1024x32xf32, #tpu.memory_space<hbm>>, %arg3: memref<25088xi32, #tpu.memory_space<hbm>>, %arg4: memref<25088x32xf32, #tpu.memory_space<hbm>>, %arg5: memref<784xi32, #tpu.memory_space<vmem>>, %arg6: memref<784x32xf32, #tpu.memory_space<vmem>>, %arg7: memref<!tpu.dma_semaphore, #tpu.memory_space<semaphore_mem>>) attributes {dimension_semantics = [#tpu.dimension_semantics<core_parallel>, #tpu.dimension_semantics<subcore_parallel>], iteration_bounds = array<i64: 2, 16>, scalar_prefetch = 0 : i64, scratch_operands = 3 : i64, tpu.core_type = #tpu.core_type<sc_vector_subcore>, window_params = [{transform_indices = #map}, {transform_indices = #map1}, {transform_indices = #map}]} {
    %mul3A = arith.constant 2 : i32
    %mul3A_0 = arith.muli %arg1, %mul3A : i32
    %add3A = arith.addi %mul3A_0, %arg0 : i32
    %mul3A_1 = arith.constant 784 : i32
    %mul3A_2 = arith.muli %add3A, %mul3A_1 : i32
    "tpu.region"() ({
      %run_scoped3A = tpu.sem_alloc : memref<!tpu.dma_semaphore, #tpu.memory_space<semaphore_mem>>
      %dma_start3A_113 = tpu.memref_slice %arg3[%mul3A_2] : memref<25088xi32, #tpu.memory_space<hbm>> -> memref<784xi32, #tpu.memory_space<hbm>>
      %dma_start3A_114 = tpu.memref_slice %arg3[%mul3A_2] : memref<25088xi32, #tpu.memory_space<hbm>> -> memref<784xi32, #tpu.memory_space<hbm>>
      tpu.enqueue_dma source(%dma_start3A_114 : memref<784xi32, #tpu.memory_space<hbm>>) target(%arg5 : memref<784xi32, #tpu.memory_space<vmem>>) target_semaphore(%run_scoped3A : memref<!tpu.dma_semaphore, #tpu.memory_space<semaphore_mem>>)
      %dma_wait3A_115 = tpu.memref_slice %arg3[%mul3A_2] : memref<25088xi32, #tpu.memory_space<hbm>> -> memref<784xi32, #tpu.memory_space<hbm>>
      %dma_wait3A_116 = tpu.memref_slice %arg3[%mul3A_2] : memref<25088xi32, #tpu.memory_space<hbm>> -> memref<784xi32, #tpu.memory_space<hbm>>
      tpu.wait_dma2 semaphore(%run_scoped3A : memref<!tpu.dma_semaphore, #tpu.memory_space<semaphore_mem>>) src(%dma_wait3A_116 : memref<784xi32, #tpu.memory_space<hbm>>) dst(%arg5 : memref<784xi32, #tpu.memory_space<vmem>>)
      tpu.yield
    }) : () -> ()
    %dma_start3A = arith.constant 0 : i32
    %dma_start3A_3 = arith.constant 0 : i32
    %dma_start3A_4 = tpu.memref_slice %arg6[%dma_start3A, %dma_start3A_3] : memref<784x32xf32, #tpu.memory_space<vmem>> -> memref<112x32xf32, #tpu.memory_space<vmem>>
    %dma_start3A_5 = arith.constant 0 : i32
    %dma_start3A_6 = tpu.memref_slice %arg5[%dma_start3A_5] : memref<784xi32, #tpu.memory_space<vmem>> -> memref<112xi32, #tpu.memory_space<vmem>>
    %dma_start3A_7 = arith.constant 0 : i32
    %dma_start3A_8 = arith.constant 0 : i32
    %dma_start3A_9 = tpu.memref_slice %arg2[%dma_start3A_7, %dma_start3A_8] : memref<1024x32xf32, #tpu.memory_space<hbm>> -> memref<1024x32xf32, #tpu.memory_space<hbm>>
    tpu.enqueue_indirect_dma source(%dma_start3A_9 : memref<1024x32xf32, #tpu.memory_space<hbm>>) target(%dma_start3A_4 : memref<112x32xf32, #tpu.memory_space<vmem>>) offsets(%dma_start3A_6 : memref<112xi32, #tpu.memory_space<vmem>>) semaphore(%arg7 : memref<!tpu.dma_semaphore, #tpu.memory_space<semaphore_mem>>)
    %dma_start3A_10 = arith.constant 112 : i32
    %dma_start3A_11 = arith.constant 0 : i32
    %dma_start3A_12 = tpu.memref_slice %arg6[%dma_start3A_10, %dma_start3A_11] : memref<784x32xf32, #tpu.memory_space<vmem>> -> memref<112x32xf32, #tpu.memory_space<vmem>>
    %dma_start3A_13 = arith.constant 112 : i32
    %dma_start3A_14 = tpu.memref_slice %arg5[%dma_start3A_13] : memref<784xi32, #tpu.memory_space<vmem>> -> memref<112xi32, #tpu.memory_space<vmem>>
    %dma_start3A_15 = arith.constant 0 : i32
    %dma_start3A_16 = arith.constant 0 : i32
    %dma_start3A_17 = tpu.memref_slice %arg2[%dma_start3A_15, %dma_start3A_16] : memref<1024x32xf32, #tpu.memory_space<hbm>> -> memref<1024x32xf32, #tpu.memory_space<hbm>>
    tpu.enqueue_indirect_dma source(%dma_start3A_17 : memref<1024x32xf32, #tpu.memory_space<hbm>>) target(%dma_start3A_12 : memref<112x32xf32, #tpu.memory_space<vmem>>) offsets(%dma_start3A_14 : memref<112xi32, #tpu.memory_space<vmem>>) semaphore(%arg7 : memref<!tpu.dma_semaphore, #tpu.memory_space<semaphore_mem>>)
    %dma_start3A_18 = arith.constant 224 : i32
    %dma_start3A_19 = arith.constant 0 : i32
    %dma_start3A_20 = tpu.memref_slice %arg6[%dma_start3A_18, %dma_start3A_19] : memref<784x32xf32, #tpu.memory_space<vmem>> -> memref<112x32xf32, #tpu.memory_space<vmem>>
    %dma_start3A_21 = arith.constant 224 : i32
    %dma_start3A_22 = tpu.memref_slice %arg5[%dma_start3A_21] : memref<784xi32, #tpu.memory_space<vmem>> -> memref<112xi32, #tpu.memory_space<vmem>>
    %dma_start3A_23 = arith.constant 0 : i32
    %dma_start3A_24 = arith.constant 0 : i32
    %dma_start3A_25 = tpu.memref_slice %arg2[%dma_start3A_23, %dma_start3A_24] : memref<1024x32xf32, #tpu.memory_space<hbm>> -> memref<1024x32xf32, #tpu.memory_space<hbm>>
    tpu.enqueue_indirect_dma source(%dma_start3A_25 : memref<1024x32xf32, #tpu.memory_space<hbm>>) target(%dma_start3A_20 : memref<112x32xf32, #tpu.memory_space<vmem>>) offsets(%dma_start3A_22 : memref<112xi32, #tpu.memory_space<vmem>>) semaphore(%arg7 : memref<!tpu.dma_semaphore, #tpu.memory_space<semaphore_mem>>)
    %dma_start3A_26 = arith.constant 336 : i32
    %dma_start3A_27 = arith.constant 0 : i32
    %dma_start3A_28 = tpu.memref_slice %arg6[%dma_start3A_26, %dma_start3A_27] : memref<784x32xf32, #tpu.memory_space<vmem>> -> memref<112x32xf32, #tpu.memory_space<vmem>>
    %dma_start3A_29 = arith.constant 336 : i32
    %dma_start3A_30 = tpu.memref_slice %arg5[%dma_start3A_29] : memref<784xi32, #tpu.memory_space<vmem>> -> memref<112xi32, #tpu.memory_space<vmem>>
    %dma_start3A_31 = arith.constant 0 : i32
    %dma_start3A_32 = arith.constant 0 : i32
    %dma_start3A_33 = tpu.memref_slice %arg2[%dma_start3A_31, %dma_start3A_32] : memref<1024x32xf32, #tpu.memory_space<hbm>> -> memref<1024x32xf32, #tpu.memory_space<hbm>>
    tpu.enqueue_indirect_dma source(%dma_start3A_33 : memref<1024x32xf32, #tpu.memory_space<hbm>>) target(%dma_start3A_28 : memref<112x32xf32, #tpu.memory_space<vmem>>) offsets(%dma_start3A_30 : memref<112xi32, #tpu.memory_space<vmem>>) semaphore(%arg7 : memref<!tpu.dma_semaphore, #tpu.memory_space<semaphore_mem>>)
    %dma_start3A_34 = arith.constant 448 : i32
    %dma_start3A_35 = arith.constant 0 : i32
    %dma_start3A_36 = tpu.memref_slice %arg6[%dma_start3A_34, %dma_start3A_35] : memref<784x32xf32, #tpu.memory_space<vmem>> -> memref<112x32xf32, #tpu.memory_space<vmem>>
    %dma_start3A_37 = arith.constant 448 : i32
    %dma_start3A_38 = tpu.memref_slice %arg5[%dma_start3A_37] : memref<784xi32, #tpu.memory_space<vmem>> -> memref<112xi32, #tpu.memory_space<vmem>>
    %dma_start3A_39 = arith.constant 0 : i32
    %dma_start3A_40 = arith.constant 0 : i32
    %dma_start3A_41 = tpu.memref_slice %arg2[%dma_start3A_39, %dma_start3A_40] : memref<1024x32xf32, #tpu.memory_space<hbm>> -> memref<1024x32xf32, #tpu.memory_space<hbm>>
    tpu.enqueue_indirect_dma source(%dma_start3A_41 : memref<1024x32xf32, #tpu.memory_space<hbm>>) target(%dma_start3A_36 : memref<112x32xf32, #tpu.memory_space<vmem>>) offsets(%dma_start3A_38 : memref<112xi32, #tpu.memory_space<vmem>>) semaphore(%arg7 : memref<!tpu.dma_semaphore, #tpu.memory_space<semaphore_mem>>)
    %dma_start3A_42 = arith.constant 560 : i32
    %dma_start3A_43 = arith.constant 0 : i32
    %dma_start3A_44 = tpu.memref_slice %arg6[%dma_start3A_42, %dma_start3A_43] : memref<784x32xf32, #tpu.memory_space<vmem>> -> memref<112x32xf32, #tpu.memory_space<vmem>>
    %dma_start3A_45 = arith.constant 560 : i32
    %dma_start3A_46 = tpu.memref_slice %arg5[%dma_start3A_45] : memref<784xi32, #tpu.memory_space<vmem>> -> memref<112xi32, #tpu.memory_space<vmem>>
    %dma_start3A_47 = arith.constant 0 : i32
    %dma_start3A_48 = arith.constant 0 : i32
    %dma_start3A_49 = tpu.memref_slice %arg2[%dma_start3A_47, %dma_start3A_48] : memref<1024x32xf32, #tpu.memory_space<hbm>> -> memref<1024x32xf32, #tpu.memory_space<hbm>>
    tpu.enqueue_indirect_dma source(%dma_start3A_49 : memref<1024x32xf32, #tpu.memory_space<hbm>>) target(%dma_start3A_44 : memref<112x32xf32, #tpu.memory_space<vmem>>) offsets(%dma_start3A_46 : memref<112xi32, #tpu.memory_space<vmem>>) semaphore(%arg7 : memref<!tpu.dma_semaphore, #tpu.memory_space<semaphore_mem>>)
    %dma_start3A_50 = arith.constant 672 : i32
    %dma_start3A_51 = arith.constant 0 : i32
    %dma_start3A_52 = tpu.memref_slice %arg6[%dma_start3A_50, %dma_start3A_51] : memref<784x32xf32, #tpu.memory_space<vmem>> -> memref<112x32xf32, #tpu.memory_space<vmem>>
    %dma_start3A_53 = arith.constant 672 : i32
    %dma_start3A_54 = tpu.memref_slice %arg5[%dma_start3A_53] : memref<784xi32, #tpu.memory_space<vmem>> -> memref<112xi32, #tpu.memory_space<vmem>>
    %dma_start3A_55 = arith.constant 0 : i32
    %dma_start3A_56 = arith.constant 0 : i32
    %dma_start3A_57 = tpu.memref_slice %arg2[%dma_start3A_55, %dma_start3A_56] : memref<1024x32xf32, #tpu.memory_space<hbm>> -> memref<1024x32xf32, #tpu.memory_space<hbm>>
    tpu.enqueue_indirect_dma source(%dma_start3A_57 : memref<1024x32xf32, #tpu.memory_space<hbm>>) target(%dma_start3A_52 : memref<112x32xf32, #tpu.memory_space<vmem>>) offsets(%dma_start3A_54 : memref<112xi32, #tpu.memory_space<vmem>>) semaphore(%arg7 : memref<!tpu.dma_semaphore, #tpu.memory_space<semaphore_mem>>)
    %dma_wait3A = arith.constant 0 : i32
    %dma_wait3A_58 = arith.constant 0 : i32
    %dma_wait3A_59 = tpu.memref_slice %arg6[%dma_wait3A, %dma_wait3A_58] : memref<784x32xf32, #tpu.memory_space<vmem>> -> memref<112x32xf32, #tpu.memory_space<vmem>>
    %dma_wait3A_60 = arith.constant 0 : i32
    %dma_wait3A_61 = tpu.memref_slice %arg5[%dma_wait3A_60] : memref<784xi32, #tpu.memory_space<vmem>> -> memref<112xi32, #tpu.memory_space<vmem>>
    %dma_wait3A_62 = arith.constant 0 : i32
    %dma_wait3A_63 = arith.constant 0 : i32
    %dma_wait3A_64 = tpu.memref_slice %arg2[%dma_wait3A_62, %dma_wait3A_63] : memref<1024x32xf32, #tpu.memory_space<hbm>> -> memref<1024x32xf32, #tpu.memory_space<hbm>>
    tpu.wait_indirect_dma semaphore(%arg7 : memref<!tpu.dma_semaphore, #tpu.memory_space<semaphore_mem>>) src(%dma_wait3A_64 : memref<1024x32xf32, #tpu.memory_space<hbm>>) dst(%dma_wait3A_59 : memref<112x32xf32, #tpu.memory_space<vmem>>)
    %dma_wait3A_65 = arith.constant 112 : i32
    %dma_wait3A_66 = arith.constant 0 : i32
    %dma_wait3A_67 = tpu.memref_slice %arg6[%dma_wait3A_65, %dma_wait3A_66] : memref<784x32xf32, #tpu.memory_space<vmem>> -> memref<112x32xf32, #tpu.memory_space<vmem>>
    %dma_wait3A_68 = arith.constant 112 : i32
    %dma_wait3A_69 = tpu.memref_slice %arg5[%dma_wait3A_68] : memref<784xi32, #tpu.memory_space<vmem>> -> memref<112xi32, #tpu.memory_space<vmem>>
    %dma_wait3A_70 = arith.constant 0 : i32
    %dma_wait3A_71 = arith.constant 0 : i32
    %dma_wait3A_72 = tpu.memref_slice %arg2[%dma_wait3A_70, %dma_wait3A_71] : memref<1024x32xf32, #tpu.memory_space<hbm>> -> memref<1024x32xf32, #tpu.memory_space<hbm>>
    tpu.wait_indirect_dma semaphore(%arg7 : memref<!tpu.dma_semaphore, #tpu.memory_space<semaphore_mem>>) src(%dma_wait3A_72 : memref<1024x32xf32, #tpu.memory_space<hbm>>) dst(%dma_wait3A_67 : memref<112x32xf32, #tpu.memory_space<vmem>>)
    %dma_wait3A_73 = arith.constant 224 : i32
    %dma_wait3A_74 = arith.constant 0 : i32
    %dma_wait3A_75 = tpu.memref_slice %arg6[%dma_wait3A_73, %dma_wait3A_74] : memref<784x32xf32, #tpu.memory_space<vmem>> -> memref<112x32xf32, #tpu.memory_space<vmem>>
    %dma_wait3A_76 = arith.constant 224 : i32
    %dma_wait3A_77 = tpu.memref_slice %arg5[%dma_wait3A_76] : memref<784xi32, #tpu.memory_space<vmem>> -> memref<112xi32, #tpu.memory_space<vmem>>
    %dma_wait3A_78 = arith.constant 0 : i32
    %dma_wait3A_79 = arith.constant 0 : i32
    %dma_wait3A_80 = tpu.memref_slice %arg2[%dma_wait3A_78, %dma_wait3A_79] : memref<1024x32xf32, #tpu.memory_space<hbm>> -> memref<1024x32xf32, #tpu.memory_space<hbm>>
    tpu.wait_indirect_dma semaphore(%arg7 : memref<!tpu.dma_semaphore, #tpu.memory_space<semaphore_mem>>) src(%dma_wait3A_80 : memref<1024x32xf32, #tpu.memory_space<hbm>>) dst(%dma_wait3A_75 : memref<112x32xf32, #tpu.memory_space<vmem>>)
    %dma_wait3A_81 = arith.constant 336 : i32
    %dma_wait3A_82 = arith.constant 0 : i32
    %dma_wait3A_83 = tpu.memref_slice %arg6[%dma_wait3A_81, %dma_wait3A_82] : memref<784x32xf32, #tpu.memory_space<vmem>> -> memref<112x32xf32, #tpu.memory_space<vmem>>
    %dma_wait3A_84 = arith.constant 336 : i32
    %dma_wait3A_85 = tpu.memref_slice %arg5[%dma_wait3A_84] : memref<784xi32, #tpu.memory_space<vmem>> -> memref<112xi32, #tpu.memory_space<vmem>>
    %dma_wait3A_86 = arith.constant 0 : i32
    %dma_wait3A_87 = arith.constant 0 : i32
    %dma_wait3A_88 = tpu.memref_slice %arg2[%dma_wait3A_86, %dma_wait3A_87] : memref<1024x32xf32, #tpu.memory_space<hbm>> -> memref<1024x32xf32, #tpu.memory_space<hbm>>
    tpu.wait_indirect_dma semaphore(%arg7 : memref<!tpu.dma_semaphore, #tpu.memory_space<semaphore_mem>>) src(%dma_wait3A_88 : memref<1024x32xf32, #tpu.memory_space<hbm>>) dst(%dma_wait3A_83 : memref<112x32xf32, #tpu.memory_space<vmem>>)
    %dma_wait3A_89 = arith.constant 448 : i32
    %dma_wait3A_90 = arith.constant 0 : i32
    %dma_wait3A_91 = tpu.memref_slice %arg6[%dma_wait3A_89, %dma_wait3A_90] : memref<784x32xf32, #tpu.memory_space<vmem>> -> memref<112x32xf32, #tpu.memory_space<vmem>>
    %dma_wait3A_92 = arith.constant 448 : i32
    %dma_wait3A_93 = tpu.memref_slice %arg5[%dma_wait3A_92] : memref<784xi32, #tpu.memory_space<vmem>> -> memref<112xi32, #tpu.memory_space<vmem>>
    %dma_wait3A_94 = arith.constant 0 : i32
    %dma_wait3A_95 = arith.constant 0 : i32
    %dma_wait3A_96 = tpu.memref_slice %arg2[%dma_wait3A_94, %dma_wait3A_95] : memref<1024x32xf32, #tpu.memory_space<hbm>> -> memref<1024x32xf32, #tpu.memory_space<hbm>>
    tpu.wait_indirect_dma semaphore(%arg7 : memref<!tpu.dma_semaphore, #tpu.memory_space<semaphore_mem>>) src(%dma_wait3A_96 : memref<1024x32xf32, #tpu.memory_space<hbm>>) dst(%dma_wait3A_91 : memref<112x32xf32, #tpu.memory_space<vmem>>)
    %dma_wait3A_97 = arith.constant 560 : i32
    %dma_wait3A_98 = arith.constant 0 : i32
    %dma_wait3A_99 = tpu.memref_slice %arg6[%dma_wait3A_97, %dma_wait3A_98] : memref<784x32xf32, #tpu.memory_space<vmem>> -> memref<112x32xf32, #tpu.memory_space<vmem>>
    %dma_wait3A_100 = arith.constant 560 : i32
    %dma_wait3A_101 = tpu.memref_slice %arg5[%dma_wait3A_100] : memref<784xi32, #tpu.memory_space<vmem>> -> memref<112xi32, #tpu.memory_space<vmem>>
    %dma_wait3A_102 = arith.constant 0 : i32
    %dma_wait3A_103 = arith.constant 0 : i32
    %dma_wait3A_104 = tpu.memref_slice %arg2[%dma_wait3A_102, %dma_wait3A_103] : memref<1024x32xf32, #tpu.memory_space<hbm>> -> memref<1024x32xf32, #tpu.memory_space<hbm>>
    tpu.wait_indirect_dma semaphore(%arg7 : memref<!tpu.dma_semaphore, #tpu.memory_space<semaphore_mem>>) src(%dma_wait3A_104 : memref<1024x32xf32, #tpu.memory_space<hbm>>) dst(%dma_wait3A_99 : memref<112x32xf32, #tpu.memory_space<vmem>>)
    %dma_wait3A_105 = arith.constant 672 : i32
    %dma_wait3A_106 = arith.constant 0 : i32
    %dma_wait3A_107 = tpu.memref_slice %arg6[%dma_wait3A_105, %dma_wait3A_106] : memref<784x32xf32, #tpu.memory_space<vmem>> -> memref<112x32xf32, #tpu.memory_space<vmem>>
    %dma_wait3A_108 = arith.constant 672 : i32
    %dma_wait3A_109 = tpu.memref_slice %arg5[%dma_wait3A_108] : memref<784xi32, #tpu.memory_space<vmem>> -> memref<112xi32, #tpu.memory_space<vmem>>
    %dma_wait3A_110 = arith.constant 0 : i32
    %dma_wait3A_111 = arith.constant 0 : i32
    %dma_wait3A_112 = tpu.memref_slice %arg2[%dma_wait3A_110, %dma_wait3A_111] : memref<1024x32xf32, #tpu.memory_space<hbm>> -> memref<1024x32xf32, #tpu.memory_space<hbm>>
    tpu.wait_indirect_dma semaphore(%arg7 : memref<!tpu.dma_semaphore, #tpu.memory_space<semaphore_mem>>) src(%dma_wait3A_112 : memref<1024x32xf32, #tpu.memory_space<hbm>>) dst(%dma_wait3A_107 : memref<112x32xf32, #tpu.memory_space<vmem>>)
    "tpu.region"() ({
      %run_scoped3A = tpu.sem_alloc : memref<!tpu.dma_semaphore, #tpu.memory_space<semaphore_mem>>
      %dma_start3A_113 = arith.constant 0 : i32
      %dma_start3A_114 = tpu.memref_slice %arg4[%mul3A_2, %dma_start3A_113] : memref<25088x32xf32, #tpu.memory_space<hbm>> -> memref<784x32xf32, #tpu.memory_space<hbm>>
      %dma_start3A_115 = arith.constant 0 : i32
      %dma_start3A_116 = tpu.memref_slice %arg4[%mul3A_2, %dma_start3A_115] : memref<25088x32xf32, #tpu.memory_space<hbm>> -> memref<784x32xf32, #tpu.memory_space<hbm>>
      tpu.enqueue_dma source(%arg6 : memref<784x32xf32, #tpu.memory_space<vmem>>) target(%dma_start3A_116 : memref<784x32xf32, #tpu.memory_space<hbm>>) target_semaphore(%run_scoped3A : memref<!tpu.dma_semaphore, #tpu.memory_space<semaphore_mem>>)
      %dma_wait3A_117 = arith.constant 0 : i32
      %dma_wait3A_118 = tpu.memref_slice %arg4[%mul3A_2, %dma_wait3A_117] : memref<25088x32xf32, #tpu.memory_space<hbm>> -> memref<784x32xf32, #tpu.memory_space<hbm>>
      %dma_wait3A_119 = arith.constant 0 : i32
      %dma_wait3A_120 = tpu.memref_slice %arg4[%mul3A_2, %dma_wait3A_119] : memref<25088x32xf32, #tpu.memory_space<hbm>> -> memref<784x32xf32, #tpu.memory_space<hbm>>
      tpu.wait_dma2 semaphore(%run_scoped3A : memref<!tpu.dma_semaphore, #tpu.memory_space<semaphore_mem>>) src(%arg6 : memref<784x32xf32, #tpu.memory_space<vmem>>) dst(%dma_wait3A_120 : memref<784x32xf32, #tpu.memory_space<hbm>>)
      tpu.yield
    }) : () -> ()
    return
  }
}

module attributes {stable_mosaic.version = 14 : i64} {
  func.func @_conv_only_body(%arg0: i32, %arg1: memref<192x1xf32, #tpu.memory_space<vmem>>, %arg2: memref<192x1xf32, #tpu.memory_space<vmem>>, %arg3: memref<192x1xf32, #tpu.memory_space<vmem>>, %arg4: memref<192x1xf32, #tpu.memory_space<vmem>>, %arg5: memref<32x192xf32, #tpu.memory_space<vmem>>, %arg6: memref<32x1xf32, #tpu.memory_space<vmem>>, %arg7: memref<32x32xf32, #tpu.memory_space<vmem>>, %arg8: memref<32x1xf32, #tpu.memory_space<vmem>>, %arg9: memref<1x192x3136xf32, #tpu.memory_space<vmem>>, %arg10: memref<1x32x3136xf32, #tpu.memory_space<vmem>>) attributes {dimension_semantics = [#tpu.dimension_semantics<arbitrary>], iteration_bounds = array<i64: 8>, scalar_prefetch = 0 : i64, scratch_operands = 0 : i64, tpu.core_type = #tpu.core_type<tc>, window_params = [{pipeline_mode = #tpu.pipeline_mode<synchronous>, transform_indices = @transform_0, window_bounds = array<i64: 192, 1>}, {pipeline_mode = #tpu.pipeline_mode<synchronous>, transform_indices = @transform_1, window_bounds = array<i64: 192, 1>}, {pipeline_mode = #tpu.pipeline_mode<synchronous>, transform_indices = @transform_2, window_bounds = array<i64: 192, 1>}, {pipeline_mode = #tpu.pipeline_mode<synchronous>, transform_indices = @transform_3, window_bounds = array<i64: 192, 1>}, {pipeline_mode = #tpu.pipeline_mode<synchronous>, transform_indices = @transform_4, window_bounds = array<i64: 32, 192>}, {pipeline_mode = #tpu.pipeline_mode<synchronous>, transform_indices = @transform_5, window_bounds = array<i64: 32, 1>}, {pipeline_mode = #tpu.pipeline_mode<synchronous>, transform_indices = @transform_6, window_bounds = array<i64: 32, 32>}, {pipeline_mode = #tpu.pipeline_mode<synchronous>, transform_indices = @transform_7, window_bounds = array<i64: 32, 1>}, {transform_indices = @transform_8, window_bounds = array<i64: 1, 192, 3136>}, {transform_indices = @transform_9, window_bounds = array<i64: 1, 32, 3136>}]} {
    %get3A = arith.constant 0 : index
    %get3A_0 = arith.constant 0 : index
    %get3A_1 = arith.constant 0 : index
    %get3A_2 = vector.load %arg9[%get3A, %get3A_0, %get3A_1] : memref<1x192x3136xf32, #tpu.memory_space<vmem>>, vector<1x192x3136xf32>
    %get3A_3 = vector.shape_cast %get3A_2 : vector<1x192x3136xf32> to vector<192x3136xf32>
    %get3A_4 = arith.constant 0 : index
    %get3A_5 = arith.constant 0 : index
    %get3A_6 = vector.load %arg1[%get3A_4, %get3A_5] : memref<192x1xf32, #tpu.memory_space<vmem>>, vector<192x1xf32>
    %sub3A = vector.broadcast %get3A_6 : vector<192x1xf32> to vector<192x3136xf32>
    %sub3A_7 = arith.subf %get3A_3, %sub3A : vector<192x3136xf32>
    %get3A_8 = arith.constant 0 : index
    %get3A_9 = arith.constant 0 : index
    %get3A_10 = vector.load %arg2[%get3A_8, %get3A_9] : memref<192x1xf32, #tpu.memory_space<vmem>>, vector<192x1xf32>
    %div3A = vector.broadcast %get3A_10 : vector<192x1xf32> to vector<192x3136xf32>
    %div3A_11 = arith.divf %sub3A_7, %div3A : vector<192x3136xf32>
    %get3A_12 = arith.constant 0 : index
    %get3A_13 = arith.constant 0 : index
    %get3A_14 = vector.load %arg3[%get3A_12, %get3A_13] : memref<192x1xf32, #tpu.memory_space<vmem>>, vector<192x1xf32>
    %mul3A = vector.broadcast %get3A_14 : vector<192x1xf32> to vector<192x3136xf32>
    %mul3A_15 = arith.mulf %div3A_11, %mul3A : vector<192x3136xf32>
    %get3A_16 = arith.constant 0 : index
    %get3A_17 = arith.constant 0 : index
    %get3A_18 = vector.load %arg4[%get3A_16, %get3A_17] : memref<192x1xf32, #tpu.memory_space<vmem>>, vector<192x1xf32>
    %add3A = vector.broadcast %get3A_18 : vector<192x1xf32> to vector<192x3136xf32>
    %add3A_19 = arith.addf %mul3A_15, %add3A : vector<192x3136xf32>
    %get3A_20 = arith.constant 0 : index
    %get3A_21 = arith.constant 0 : index
    %get3A_22 = vector.load %arg5[%get3A_20, %get3A_21] : memref<32x192xf32, #tpu.memory_space<vmem>>, vector<32x192xf32>
    %convert_element_type3A = arith.truncf %get3A_22 : vector<32x192xf32> to vector<32x192xbf16>
    %convert_element_type3A_23 = arith.truncf %add3A_19 : vector<192x3136xf32> to vector<192x3136xbf16>
    %dot_general3A = arith.constant dense<0.000000e+00> : vector<32x3136xf32>
    %dot_general3A_24 = tpu.matmul %convert_element_type3A, %convert_element_type3A_23, %dot_general3A {dimension_numbers = #tpu.dot_dimension_numbers<[1], [0], [0], [1], [0, 0, 1, 1], [], []>, transpose_lhs_hint = false} : vector<32x192xbf16>, vector<192x3136xbf16>, vector<32x3136xf32> -> vector<32x3136xf32>
    %get3A_25 = arith.constant 0 : index
    %get3A_26 = arith.constant 0 : index
    %get3A_27 = vector.load %arg6[%get3A_25, %get3A_26] : memref<32x1xf32, #tpu.memory_space<vmem>>, vector<32x1xf32>
    %add3A_28 = vector.broadcast %get3A_27 : vector<32x1xf32> to vector<32x3136xf32>
    %add3A_29 = arith.addf %dot_general3A_24, %add3A_28 : vector<32x3136xf32>
    %get3A_30 = arith.constant 0 : index
    %get3A_31 = arith.constant 0 : index
    %get3A_32 = vector.load %arg7[%get3A_30, %get3A_31] : memref<32x32xf32, #tpu.memory_space<vmem>>, vector<32x32xf32>
    %convert_element_type3A_33 = arith.truncf %get3A_32 : vector<32x32xf32> to vector<32x32xbf16>
    %convert_element_type3A_34 = arith.truncf %add3A_29 : vector<32x3136xf32> to vector<32x3136xbf16>
    %dot_general3A_35 = arith.constant dense<0.000000e+00> : vector<32x3136xf32>
    %dot_general3A_36 = tpu.matmul %convert_element_type3A_33, %convert_element_type3A_34, %dot_general3A_35 {dimension_numbers = #tpu.dot_dimension_numbers<[1], [0], [0], [1], [0, 0, 1, 1], [], []>, transpose_lhs_hint = false} : vector<32x32xbf16>, vector<32x3136xbf16>, vector<32x3136xf32> -> vector<32x3136xf32>
    %get3A_37 = arith.constant 0 : index
    %get3A_38 = arith.constant 0 : index
    %get3A_39 = vector.load %arg8[%get3A_37, %get3A_38] : memref<32x1xf32, #tpu.memory_space<vmem>>, vector<32x1xf32>
    %add3A_40 = vector.broadcast %get3A_39 : vector<32x1xf32> to vector<32x3136xf32>
    %add3A_41 = arith.addf %dot_general3A_36, %add3A_40 : vector<32x3136xf32>
    %broadcast_in_dim3A = vector.shape_cast %add3A_41 : vector<32x3136xf32> to vector<1x32x3136xf32>
    %swap3A = arith.constant 0 : index
    %swap3A_42 = arith.constant 0 : index
    %swap3A_43 = arith.constant 0 : index
    %swap3A_44 = vector.load %arg10[%swap3A, %swap3A_42, %swap3A_43] : memref<1x32x3136xf32, #tpu.memory_space<vmem>>, vector<1x32x3136xf32>
    tpu.vector_store %arg10[%swap3A, %swap3A_42, %swap3A_43], %broadcast_in_dim3A {strides = array<i32>} : memref<1x32x3136xf32, #tpu.memory_space<vmem>>, vector<1x32x3136xf32>,
    return
  }
  func.func @transform_0(%arg0: i32) -> (i32, i32) {
    %c0_i32 = arith.constant 0 : i32
    %c0_i32_0 = arith.constant 0 : i32
    %c0_i32_1 = arith.constant 0 : i32
    return %c0_i32, %c0_i32_0 : i32, i32
  }
  func.func @transform_1(%arg0: i32) -> (i32, i32) {
    %c0_i32 = arith.constant 0 : i32
    %c0_i32_0 = arith.constant 0 : i32
    %c0_i32_1 = arith.constant 0 : i32
    return %c0_i32, %c0_i32_0 : i32, i32
  }
  func.func @transform_2(%arg0: i32) -> (i32, i32) {
    %c0_i32 = arith.constant 0 : i32
    %c0_i32_0 = arith.constant 0 : i32
    %c0_i32_1 = arith.constant 0 : i32
    return %c0_i32, %c0_i32_0 : i32, i32
  }
  func.func @transform_3(%arg0: i32) -> (i32, i32) {
    %c0_i32 = arith.constant 0 : i32
    %c0_i32_0 = arith.constant 0 : i32
    %c0_i32_1 = arith.constant 0 : i32
    return %c0_i32, %c0_i32_0 : i32, i32
  }
  func.func @transform_4(%arg0: i32) -> (i32, i32) {
    %c0_i32 = arith.constant 0 : i32
    %c0_i32_0 = arith.constant 0 : i32
    %c0_i32_1 = arith.constant 0 : i32
    return %c0_i32, %c0_i32_0 : i32, i32
  }
  func.func @transform_5(%arg0: i32) -> (i32, i32) {
    %c0_i32 = arith.constant 0 : i32
    %c0_i32_0 = arith.constant 0 : i32
    %c0_i32_1 = arith.constant 0 : i32
    return %c0_i32, %c0_i32_0 : i32, i32
  }
  func.func @transform_6(%arg0: i32) -> (i32, i32) {
    %c0_i32 = arith.constant 0 : i32
    %c0_i32_0 = arith.constant 0 : i32
    %c0_i32_1 = arith.constant 0 : i32
    return %c0_i32, %c0_i32_0 : i32, i32
  }
  func.func @transform_7(%arg0: i32) -> (i32, i32) {
    %c0_i32 = arith.constant 0 : i32
    %c0_i32_0 = arith.constant 0 : i32
    %c0_i32_1 = arith.constant 0 : i32
    return %c0_i32, %c0_i32_0 : i32, i32
  }
  func.func @transform_8(%arg0: i32) -> (i32, i32, i32) {
    %c0_i32 = arith.constant 0 : i32
    %c0_i32_0 = arith.constant 0 : i32
    %c0_i32_1 = arith.constant 0 : i32
    return %arg0, %c0_i32, %c0_i32_0 : i32, i32, i32
  }
  func.func @transform_9(%arg0: i32) -> (i32, i32, i32) {
    %c0_i32 = arith.constant 0 : i32
    %c0_i32_0 = arith.constant 0 : i32
    %c0_i32_1 = arith.constant 0 : i32
    return %arg0, %c0_i32, %c0_i32_0 : i32, i32, i32
  }
}

module attributes {stable_mosaic.version = 14 : i64} {
  func.func @_vq_body(%arg0: i32, %arg1: memref<1024x32xf32, #tpu.memory_space<vmem>>, %arg2: memref<1792x32xf32, #tpu.memory_space<vmem>>, %arg3: memref<1x1x1792xi32, #tpu.memory_space<vmem>>, %arg4: memref<1x128xf32, #tpu.memory_space<vmem>>) attributes {dimension_semantics = [#tpu.dimension_semantics<arbitrary>], iteration_bounds = array<i64: 14>, scalar_prefetch = 0 : i64, scratch_operands = 0 : i64, tpu.core_type = #tpu.core_type<tc>, window_params = [{pipeline_mode = #tpu.pipeline_mode<synchronous>, transform_indices = @transform_0, window_bounds = array<i64: 1024, 32>}, {transform_indices = @transform_1, window_bounds = array<i64: 1792, 32>}, {transform_indices = @transform_2, window_bounds = array<i64: 1, 1, 1792>}, {pipeline_mode = #tpu.pipeline_mode<synchronous>, transform_indices = @transform_3, window_bounds = array<i64: 1, 128>}]} {
    %get3A = arith.constant 0 : index
    %get3A_0 = arith.constant 0 : index
    %get3A_1 = vector.load %arg1[%get3A, %get3A_0] : memref<1024x32xf32, #tpu.memory_space<vmem>>, vector<1024x32xf32>
    %get3A_2 = arith.constant 0 : index
    %get3A_3 = arith.constant 0 : index
    %get3A_4 = vector.load %arg2[%get3A_2, %get3A_3] : memref<1792x32xf32, #tpu.memory_space<vmem>>, vector<1792x32xf32>
    %convert_element_type3A = arith.truncf %get3A_1 : vector<1024x32xf32> to vector<1024x32xbf16>
    %convert_element_type3A_5 = arith.truncf %get3A_4 : vector<1792x32xf32> to vector<1792x32xbf16>
    %dot_general3A = arith.constant dense<0.000000e+00> : vector<1024x1792xf32>
    %dot_general3A_6 = tpu.matmul %convert_element_type3A, %convert_element_type3A_5, %dot_general3A {dimension_numbers = #tpu.dot_dimension_numbers<[1], [1], [0], [0], [0, 0, 1, 0], [], []>, transpose_lhs_hint = false} : vector<1024x32xbf16>, vector<1792x32xbf16>, vector<1024x1792xf32> -> vector<1024x1792xf32>
    %mul3A = arith.mulf %get3A_1, %get3A_1 : vector<1024x32xf32>
    %reduce_sum3A = arith.constant dense<0.000000e+00> : vector<1024xf32>
    %reduce_sum3A_7 = vector.multi_reduction <add>, %mul3A, %reduce_sum3A [1] : vector<1024x32xf32> to vector<1024xf32>
    %broadcast_in_dim3A = vector.shape_cast %reduce_sum3A_7 : vector<1024xf32> to vector<1024x1xf32>
    %mul3A_8 = arith.constant 2.000000e+00 : f32
    %mul3A_9 = vector.broadcast %mul3A_8 : f32 to vector<1024x1792xf32>
    %mul3A_10 = arith.mulf %mul3A_9, %dot_general3A_6 : vector<1024x1792xf32>
    %sub3A = vector.broadcast %broadcast_in_dim3A : vector<1024x1xf32> to vector<1024x1792xf32>
    %sub3A_11 = arith.subf %sub3A, %mul3A_10 : vector<1024x1792xf32>
    %reduce_min3A = arith.constant dense<0x7F800000> : vector<1792xf32>
    %reduce_min3A_12 = vector.multi_reduction <minimumf>, %sub3A_11, %reduce_min3A [0] : vector<1024x1792xf32> to vector<1792xf32>
    %argmin3A = tpu.reduce_index %sub3A_11 {axis = 0 : i32, kind = #tpu.reduction_kind<arg_min>} : vector<1024x1792xf32> -> vector<1792xi32>
    %broadcast_in_dim3A_13 = vector.shape_cast %argmin3A : vector<1792xi32> to vector<1x1x1792xi32>
    %swap3A = arith.constant 0 : index
    %swap3A_14 = arith.constant 0 : index
    %swap3A_15 = arith.constant 0 : index
    %swap3A_16 = vector.load %arg3[%swap3A, %swap3A_14, %swap3A_15] : memref<1x1x1792xi32, #tpu.memory_space<vmem>>, vector<1x1x1792xi32>
    tpu.vector_store %arg3[%swap3A, %swap3A_14, %swap3A_15], %broadcast_in_dim3A_13 {strides = array<i32>} : memref<1x1x1792xi32, #tpu.memory_space<vmem>>, vector<1x1x1792xi32>,
    %reduce_sum3A_17 = vector.shape_cast %reduce_min3A_12 : vector<1792xf32> to vector<1x1792xf32>
    %reduce_sum3A_18 = arith.constant dense<0.000000e+00> : vector<1xf32>
    %reduce_sum3A_19 = vector.multi_reduction <add>, %reduce_sum3A_17, %reduce_sum3A_18 [1] : vector<1x1792xf32> to vector<1xf32>
    %reduce_sum3A_20 = vector.shape_cast %reduce_sum3A_19 : vector<1xf32> to vector<1x1xf32>
    %reduce_sum3A_21 = vector.extract %reduce_sum3A_20[0, 0] : f32 from vector<1x1xf32>
    %mul3A_22 = arith.mulf %get3A_4, %get3A_4 : vector<1792x32xf32>
    %reduce_sum3A_23 = vector.shape_cast %mul3A_22 : vector<1792x32xf32> to vector<1x1792x32xf32>
    %reduce_sum3A_24 = arith.constant dense<0.000000e+00> : vector<1xf32>
    %reduce_sum3A_25 = vector.multi_reduction <add>, %reduce_sum3A_23, %reduce_sum3A_24 [1, 2] : vector<1x1792x32xf32> to vector<1xf32>
    %reduce_sum3A_26 = vector.shape_cast %reduce_sum3A_25 : vector<1xf32> to vector<1x1x1xf32>
    %reduce_sum3A_27 = vector.extract %reduce_sum3A_26[0, 0, 0] : f32 from vector<1x1x1xf32>
    %add3A = arith.addf %reduce_sum3A_21, %reduce_sum3A_27 : f32
    %eq3A = arith.constant 0 : i32
    %eq3A_28 = arith.cmpi eq, %arg0, %eq3A : i32
    %convert_element_type3A_29 = arith.extui %eq3A_28 : i1 to i32
    %cond3A = arith.constant 0 : i32
    %cond3A_30 = arith.cmpi ne, %convert_element_type3A_29, %cond3A : i32
    scf.if %cond3A_30 {
      %broadcast_in_dim3A_35 = vector.broadcast %add3A : f32 to vector<1x128xf32>
      %swap3A_36 = arith.constant 0 : index
      %swap3A_37 = arith.constant 0 : index
      %swap3A_38 = vector.load %arg4[%swap3A_36, %swap3A_37] : memref<1x128xf32, #tpu.memory_space<vmem>>, vector<1x128xf32>
      tpu.vector_store %arg4[%swap3A_36, %swap3A_37], %broadcast_in_dim3A_35 {strides = array<i32>} : memref<1x128xf32, #tpu.memory_space<vmem>>, vector<1x128xf32>,
    } else {
    }
    %ne3A = arith.constant 0 : i32
    %ne3A_31 = arith.cmpi ne, %arg0, %ne3A : i32
    %convert_element_type3A_32 = arith.extui %ne3A_31 : i1 to i32
    %cond3A_33 = arith.constant 0 : i32
    %cond3A_34 = arith.cmpi ne, %convert_element_type3A_32, %cond3A_33 : i32
    scf.if %cond3A_34 {
      %get3A_35 = arith.constant 0 : index
      %get3A_36 = arith.constant 0 : index
      %get3A_37 = vector.load %arg4[%get3A_35, %get3A_36] : memref<1x128xf32, #tpu.memory_space<vmem>>, vector<1x128xf32>
      %add3A_38 = vector.broadcast %add3A : f32 to vector<1x128xf32>
      %add3A_39 = arith.addf %get3A_37, %add3A_38 : vector<1x128xf32>
      %swap3A_40 = arith.constant 0 : index
      %swap3A_41 = arith.constant 0 : index
      %swap3A_42 = vector.load %arg4[%swap3A_40, %swap3A_41] : memref<1x128xf32, #tpu.memory_space<vmem>>, vector<1x128xf32>
      tpu.vector_store %arg4[%swap3A_40, %swap3A_41], %add3A_39 {strides = array<i32>} : memref<1x128xf32, #tpu.memory_space<vmem>>, vector<1x128xf32>,
    } else {
    }
    return
  }
  func.func @transform_0(%arg0: i32) -> (i32, i32) {
    %c0_i32 = arith.constant 0 : i32
    %c0_i32_0 = arith.constant 0 : i32
    %c0_i32_1 = arith.constant 0 : i32
    return %c0_i32, %c0_i32_0 : i32, i32
  }
  func.func @transform_1(%arg0: i32) -> (i32, i32) {
    %c0_i32 = arith.constant 0 : i32
    %c0_i32_0 = arith.constant 0 : i32
    return %arg0, %c0_i32 : i32, i32
  }
  func.func @transform_2(%arg0: i32) -> (i32, i32, i32) {
    %c0_i32 = arith.constant 0 : i32
    %c0_i32_0 = arith.constant 0 : i32
    %c0_i32_1 = arith.constant 0 : i32
    return %arg0, %c0_i32, %c0_i32_0 : i32, i32, i32
  }
  func.func @transform_3(%arg0: i32) -> (i32, i32) {
    %c0_i32 = arith.constant 0 : i32
    %c0_i32_0 = arith.constant 0 : i32
    %c0_i32_1 = arith.constant 0 : i32
    return %c0_i32, %c0_i32_0 : i32, i32
  }
}

module attributes {stable_mosaic.version = 14 : i64} {
  func.func @_cb_body(%arg0: memref<1024x32xf32, #tpu.memory_space<vmem>>, %arg1: memref<1x1024xf32, #tpu.memory_space<vmem>>, %arg2: memref<1x128xf32, #tpu.memory_space<vmem>>) attributes {dimension_semantics = [], scalar_prefetch = 0 : i64, scratch_operands = 0 : i64, tpu.core_type = #tpu.core_type<tc>} {
    %get3A = arith.constant 0 : index
    %get3A_0 = arith.constant 0 : index
    %get3A_1 = vector.load %arg0[%get3A, %get3A_0] : memref<1024x32xf32, #tpu.memory_space<vmem>>, vector<1024x32xf32>
    %convert_element_type3A = arith.truncf %get3A_1 : vector<1024x32xf32> to vector<1024x32xbf16>
    %convert_element_type3A_2 = arith.truncf %get3A_1 : vector<1024x32xf32> to vector<1024x32xbf16>
    %dot_general3A = arith.constant dense<0.000000e+00> : vector<1024x1024xf32>
    %dot_general3A_3 = tpu.matmul %convert_element_type3A, %convert_element_type3A_2, %dot_general3A {dimension_numbers = #tpu.dot_dimension_numbers<[1], [1], [0], [0], [0, 0, 1, 0], [], []>, transpose_lhs_hint = false} : vector<1024x32xbf16>, vector<1024x32xbf16>, vector<1024x1024xf32> -> vector<1024x1024xf32>
    %mul3A = arith.mulf %get3A_1, %get3A_1 : vector<1024x32xf32>
    %reduce_sum3A = arith.constant dense<0.000000e+00> : vector<1024xf32>
    %reduce_sum3A_4 = vector.multi_reduction <add>, %mul3A, %reduce_sum3A [1] : vector<1024x32xf32> to vector<1024xf32>
    %sqrt3A = math.sqrt %reduce_sum3A_4 : vector<1024xf32>
    %broadcast_in_dim3A = vector.shape_cast %sqrt3A : vector<1024xf32> to vector<1024x1xf32>
    %broadcast_in_dim3A_5 = vector.shape_cast %sqrt3A : vector<1024xf32> to vector<1x1024xf32>
    %mul3A_6 = vector.broadcast %broadcast_in_dim3A : vector<1024x1xf32> to vector<1024x1024xf32>
    %mul3A_7 = vector.broadcast %broadcast_in_dim3A_5 : vector<1x1024xf32> to vector<1024x1024xf32>
    %mul3A_8 = arith.mulf %mul3A_6, %mul3A_7 : vector<1024x1024xf32>
    %div3A = arith.divf %dot_general3A_3, %mul3A_8 : vector<1024x1024xf32>
    %jit3A = arith.constant -0.999989986 : f32
    %jit3A_9 = arith.constant 0.999989986 : f32
    %max3A = vector.broadcast %jit3A : f32 to vector<1024x1024xf32>
    %max3A_10 = arith.maximumf %max3A, %div3A : vector<1024x1024xf32>
    %min3A = vector.broadcast %jit3A_9 : f32 to vector<1024x1024xf32>
    %min3A_11 = arith.minimumf %min3A, %max3A_10 : vector<1024x1024xf32>
    %abs3A = math.absf %min3A_11 : vector<1024x1024xf32>
    %mul3A_12 = arith.constant -0.0012624911 : f32
    %mul3A_13 = vector.broadcast %mul3A_12 : f32 to vector<1024x1024xf32>
    %mul3A_14 = arith.mulf %mul3A_13, %abs3A : vector<1024x1024xf32>
    %add3A = arith.constant 6.670090e-03 : f32
    %add3A_15 = vector.broadcast %add3A : f32 to vector<1024x1024xf32>
    %add3A_16 = arith.addf %mul3A_14, %add3A_15 : vector<1024x1024xf32>
    %mul3A_17 = arith.mulf %add3A_16, %abs3A : vector<1024x1024xf32>
    %add3A_18 = arith.constant -0.0170881264 : f32
    %add3A_19 = vector.broadcast %add3A_18 : f32 to vector<1024x1024xf32>
    %add3A_20 = arith.addf %mul3A_17, %add3A_19 : vector<1024x1024xf32>
    %mul3A_21 = arith.mulf %add3A_20, %abs3A : vector<1024x1024xf32>
    %add3A_22 = arith.constant 0.0308918804 : f32
    %add3A_23 = vector.broadcast %add3A_22 : f32 to vector<1024x1024xf32>
    %add3A_24 = arith.addf %mul3A_21, %add3A_23 : vector<1024x1024xf32>
    %mul3A_25 = arith.mulf %add3A_24, %abs3A : vector<1024x1024xf32>
    %add3A_26 = arith.constant -0.0501743034 : f32
    %add3A_27 = vector.broadcast %add3A_26 : f32 to vector<1024x1024xf32>
    %add3A_28 = arith.addf %mul3A_25, %add3A_27 : vector<1024x1024xf32>
    %mul3A_29 = arith.mulf %add3A_28, %abs3A : vector<1024x1024xf32>
    %add3A_30 = arith.constant 0.0889789909 : f32
    %add3A_31 = vector.broadcast %add3A_30 : f32 to vector<1024x1024xf32>
    %add3A_32 = arith.addf %mul3A_29, %add3A_31 : vector<1024x1024xf32>
    %mul3A_33 = arith.mulf %add3A_32, %abs3A : vector<1024x1024xf32>
    %add3A_34 = arith.constant -0.214598805 : f32
    %add3A_35 = vector.broadcast %add3A_34 : f32 to vector<1024x1024xf32>
    %add3A_36 = arith.addf %mul3A_33, %add3A_35 : vector<1024x1024xf32>
    %mul3A_37 = arith.mulf %add3A_36, %abs3A : vector<1024x1024xf32>
    %add3A_38 = arith.constant 1.57079625 : f32
    %add3A_39 = vector.broadcast %add3A_38 : f32 to vector<1024x1024xf32>
    %add3A_40 = arith.addf %mul3A_37, %add3A_39 : vector<1024x1024xf32>
    %sub3A = arith.constant 1.000000e+00 : f32
    %sub3A_41 = vector.broadcast %sub3A : f32 to vector<1024x1024xf32>
    %sub3A_42 = arith.subf %sub3A_41, %abs3A : vector<1024x1024xf32>
    %max3A_43 = arith.constant 0.000000e+00 : f32
    %max3A_44 = vector.broadcast %max3A_43 : f32 to vector<1024x1024xf32>
    %max3A_45 = arith.maximumf %sub3A_42, %max3A_44 : vector<1024x1024xf32>
    %sqrt3A_46 = math.sqrt %max3A_45 : vector<1024x1024xf32>
    %mul3A_47 = arith.mulf %sqrt3A_46, %add3A_40 : vector<1024x1024xf32>
    %ge3A = arith.constant 0.000000e+00 : f32
    %ge3A_48 = vector.broadcast %ge3A : f32 to vector<1024x1024xf32>
    %ge3A_49 = arith.cmpf oge, %min3A_11, %ge3A_48 : vector<1024x1024xf32>
    %sub3A_50 = arith.constant 3.14159274 : f32
    %sub3A_51 = vector.broadcast %sub3A_50 : f32 to vector<1024x1024xf32>
    %sub3A_52 = arith.subf %sub3A_51, %mul3A_47 : vector<1024x1024xf32>
    %select_n3A = arith.select %ge3A_49, %mul3A_47, %sub3A_52 : vector<1024x1024xi1>, vector<1024x1024xf32>
    %reduce_min3A = arith.constant dense<0x7F800000> : vector<1024xf32>
    %reduce_min3A_53 = vector.multi_reduction <minimumf>, %select_n3A, %reduce_min3A [0] : vector<1024x1024xf32> to vector<1024xf32>
    %iota3A = tpu.iota {dimensions = array<i32: 0>} : vector<1024x1024xi32>
    %broadcast_in_dim3A_54 = vector.shape_cast %reduce_min3A_53 : vector<1024xf32> to vector<1x1024xf32>
    %eq3A = vector.broadcast %broadcast_in_dim3A_54 : vector<1x1024xf32> to vector<1024x1024xf32>
    %eq3A_55 = arith.cmpf oeq, %select_n3A, %eq3A : vector<1024x1024xf32>
    %jit3A_56 = arith.constant 1024 : i32
    %broadcast_in_dim3A_57 = vector.broadcast %jit3A_56 : i32 to vector<1024x1024xi32>
    %select_n3A_58 = arith.select %eq3A_55, %iota3A, %broadcast_in_dim3A_57 : vector<1024x1024xi1>, vector<1024x1024xi32>
    %reduce_min3A_59 = arith.constant dense<2147483647> : vector<1024xi32>
    %reduce_min3A_60 = vector.multi_reduction <minsi>, %select_n3A_58, %reduce_min3A_59 [0] : vector<1024x1024xi32> to vector<1024xi32>
    %broadcast_in_dim3A_61 = vector.shape_cast %reduce_min3A_60 : vector<1024xi32> to vector<1x1024xi32>
    %eq3A_62 = vector.broadcast %broadcast_in_dim3A_61 : vector<1x1024xi32> to vector<1024x1024xi32>
    %eq3A_63 = arith.cmpi eq, %iota3A, %eq3A_62 : vector<1024x1024xi32>
    %jit3A_64 = arith.constant 4.000000e+00 : f32
    %broadcast_in_dim3A_65 = vector.broadcast %jit3A_64 : f32 to vector<1024x1024xf32>
    %select_n3A_66 = arith.select %eq3A_63, %broadcast_in_dim3A_65, %select_n3A : vector<1024x1024xi1>, vector<1024x1024xf32>
    %reduce_min3A_67 = arith.constant dense<0x7F800000> : vector<1024xf32>
    %reduce_min3A_68 = vector.multi_reduction <minimumf>, %select_n3A_66, %reduce_min3A_67 [0] : vector<1024x1024xf32> to vector<1024xf32>
    %reduce_sum3A_69 = vector.shape_cast %reduce_min3A_68 : vector<1024xf32> to vector<1x1024xf32>
    %reduce_sum3A_70 = arith.constant dense<0.000000e+00> : vector<1xf32>
    %reduce_sum3A_71 = vector.multi_reduction <add>, %reduce_sum3A_69, %reduce_sum3A_70 [1] : vector<1x1024xf32> to vector<1xf32>
    %reduce_sum3A_72 = vector.shape_cast %reduce_sum3A_71 : vector<1xf32> to vector<1x1xf32>
    %reduce_sum3A_73 = vector.extract %reduce_sum3A_72[0, 0] : f32 from vector<1x1xf32>
    %div3A_74 = arith.constant 1.024000e+03 : f32
    %div3A_75 = arith.divf %reduce_sum3A_73, %div3A_74 : f32
    %reduce_sum3A_76 = arith.constant dense<0.000000e+00> : vector<1024xf32>
    %reduce_sum3A_77 = vector.multi_reduction <add>, %select_n3A, %reduce_sum3A_76 [1] : vector<1024x1024xf32> to vector<1024xf32>
    %div3A_78 = arith.constant 1.024000e+03 : f32
    %div3A_79 = vector.broadcast %div3A_78 : f32 to vector<1024xf32>
    %div3A_80 = arith.divf %reduce_sum3A_77, %div3A_79 : vector<1024xf32>
    %broadcast_in_dim3A_81 = vector.shape_cast %div3A_80 : vector<1024xf32> to vector<1024x1xf32>
    %sub3A_82 = vector.broadcast %broadcast_in_dim3A_81 : vector<1024x1xf32> to vector<1024x1024xf32>
    %sub3A_83 = arith.subf %select_n3A, %sub3A_82 : vector<1024x1024xf32>
    %mul3A_84 = arith.mulf %sub3A_83, %sub3A_83 : vector<1024x1024xf32>
    %reduce_sum3A_85 = arith.constant dense<0.000000e+00> : vector<1024xf32>
    %reduce_sum3A_86 = vector.multi_reduction <add>, %mul3A_84, %reduce_sum3A_85 [1] : vector<1024x1024xf32> to vector<1024xf32>
    %div3A_87 = arith.constant 1.023000e+03 : f32
    %div3A_88 = vector.broadcast %div3A_87 : f32 to vector<1024xf32>
    %div3A_89 = arith.divf %reduce_sum3A_86, %div3A_88 : vector<1024xf32>
    %reduce_sum3A_90 = vector.shape_cast %div3A_89 : vector<1024xf32> to vector<1x1024xf32>
    %reduce_sum3A_91 = arith.constant dense<0.000000e+00> : vector<1xf32>
    %reduce_sum3A_92 = vector.multi_reduction <add>, %reduce_sum3A_90, %reduce_sum3A_91 [1] : vector<1x1024xf32> to vector<1xf32>
    %reduce_sum3A_93 = vector.shape_cast %reduce_sum3A_92 : vector<1xf32> to vector<1x1xf32>
    %reduce_sum3A_94 = vector.extract %reduce_sum3A_93[0, 0] : f32 from vector<1x1xf32>
    %div3A_95 = arith.constant 1.024000e+03 : f32
    %div3A_96 = arith.divf %reduce_sum3A_94, %div3A_95 : f32
    %get3A_97 = arith.constant 0 : index
    %get3A_98 = arith.constant 0 : index
    %get3A_99 = vector.load %arg1[%get3A_97, %get3A_98] : memref<1x1024xf32, #tpu.memory_space<vmem>>, vector<1x1024xf32>
    %get3A_100 = vector.shape_cast %get3A_99 : vector<1x1024xf32> to vector<1024xf32>
    %sub3A_101 = arith.subf %get3A_100, %sqrt3A : vector<1024xf32>
    %integer_pow3A = arith.mulf %sub3A_101, %sub3A_101 : vector<1024xf32>
    %reduce_sum3A_102 = vector.shape_cast %integer_pow3A : vector<1024xf32> to vector<1x1024xf32>
    %reduce_sum3A_103 = arith.constant dense<0.000000e+00> : vector<1xf32>
    %reduce_sum3A_104 = vector.multi_reduction <add>, %reduce_sum3A_102, %reduce_sum3A_103 [1] : vector<1x1024xf32> to vector<1xf32>
    %reduce_sum3A_105 = vector.shape_cast %reduce_sum3A_104 : vector<1xf32> to vector<1x1xf32>
    %reduce_sum3A_106 = vector.extract %reduce_sum3A_105[0, 0] : f32 from vector<1x1xf32>
    %div3A_107 = arith.constant 1.024000e+03 : f32
    %div3A_108 = arith.divf %reduce_sum3A_106, %div3A_107 : f32
    %jit3A_109 = arith.constant 0.899999976 : f32
    %jit3A_110 = arith.constant 1.100000e+00 : f32
    %max3A_111 = vector.broadcast %jit3A_109 : f32 to vector<1024xf32>
    %max3A_112 = arith.maximumf %max3A_111, %get3A_100 : vector<1024xf32>
    %min3A_113 = vector.broadcast %jit3A_110 : f32 to vector<1024xf32>
    %min3A_114 = arith.minimumf %min3A_113, %max3A_112 : vector<1024xf32>
    %reduce_sum3A_115 = vector.shape_cast %min3A_114 : vector<1024xf32> to vector<1x1024xf32>
    %reduce_sum3A_116 = arith.constant dense<0.000000e+00> : vector<1xf32>
    %reduce_sum3A_117 = vector.multi_reduction <add>, %reduce_sum3A_115, %reduce_sum3A_116 [1] : vector<1x1024xf32> to vector<1xf32>
    %reduce_sum3A_118 = vector.shape_cast %reduce_sum3A_117 : vector<1xf32> to vector<1x1xf32>
    %reduce_sum3A_119 = vector.extract %reduce_sum3A_118[0, 0] : f32 from vector<1x1xf32>
    %div3A_120 = arith.constant 1.024000e+03 : f32
    %div3A_121 = arith.divf %reduce_sum3A_119, %div3A_120 : f32
    %iota3A_122 = tpu.iota {dimensions = array<i32: 1>} : vector<1x128xi32>
    %eq3A_123 = arith.constant 0 : i32
    %eq3A_124 = vector.broadcast %eq3A_123 : i32 to vector<1x128xi32>
    %eq3A_125 = arith.cmpi eq, %iota3A_122, %eq3A_124 : vector<1x128xi32>
    %eq3A_126 = arith.constant 1 : i32
    %eq3A_127 = vector.broadcast %eq3A_126 : i32 to vector<1x128xi32>
    %eq3A_128 = arith.cmpi eq, %iota3A_122, %eq3A_127 : vector<1x128xi32>
    %eq3A_129 = arith.constant 2 : i32
    %eq3A_130 = vector.broadcast %eq3A_129 : i32 to vector<1x128xi32>
    %eq3A_131 = arith.cmpi eq, %iota3A_122, %eq3A_130 : vector<1x128xi32>
    %broadcast_in_dim3A_132 = vector.broadcast %div3A_108 : f32 to vector<1x128xf32>
    %broadcast_in_dim3A_133 = vector.broadcast %div3A_121 : f32 to vector<1x128xf32>
    %select_n3A_134 = arith.select %eq3A_131, %broadcast_in_dim3A_132, %broadcast_in_dim3A_133 : vector<1x128xi1>, vector<1x128xf32>
    %broadcast_in_dim3A_135 = vector.broadcast %div3A_96 : f32 to vector<1x128xf32>
    %select_n3A_136 = arith.select %eq3A_128, %broadcast_in_dim3A_135, %select_n3A_134 : vector<1x128xi1>, vector<1x128xf32>
    %broadcast_in_dim3A_137 = vector.broadcast %div3A_75 : f32 to vector<1x128xf32>
    %select_n3A_138 = arith.select %eq3A_125, %broadcast_in_dim3A_137, %select_n3A_136 : vector<1x128xi1>, vector<1x128xf32>
    %swap3A = arith.constant 0 : index
    %swap3A_139 = arith.constant 0 : index
    %swap3A_140 = vector.load %arg2[%swap3A, %swap3A_139] : memref<1x128xf32, #tpu.memory_space<vmem>>, vector<1x128xf32>
    tpu.vector_store %arg2[%swap3A, %swap3A_139], %select_n3A_138 {strides = array<i32>} : memref<1x128xf32, #tpu.memory_space<vmem>>, vector<1x128xf32>,
    return
  }
}

</mosaic_0001>

<sc_bundles>
// kernel: kernel.6.cloned.1.call-start
scs
__scs_entry_jumppad:
0x0: {  	(pc) =	sbr.rel $0x88, $3  }
0x1: {  	(tag) =	ssettag $0x0;
	lr =	simm.s32 $0x1  }
0x2: {  	[smem:$0x3F98] =	sst lr;
	_ =	strace $0xD0000000  }
0x3: {  	_ = 	snop  }
0x4: {  	_ = 	snop  }
0x5: {  	_ = 	snop  }
0x6: {  	_ = 	snop  }
0x7: {  	_ = 	snop  }
__scs_overlays_trampoline_lowered:
0x8: {  	[smem:$0x3FA7] =	sst s0  }
0x9: {  	[smem:$0x3FA8] =	sst s1  }
0xa: {  	[smem:$0x3FA9] =	sst s2  }
0xb: {  	[smem:$0x3FAA] =	sst s3  }
0xc: {  	[smem:$0x3FAB] =	sst s4  }
0xd: {  	[smem:$0x3FAC] =	sst s5  }
0xe: {  	[smem:$0x3FAD] =	sst s6  }
0xf: {  	[smem:$0x3FAE] =	sst s7  }
0x10: {  	[smem:$0x3FAF] =	sst s8  }
0x11: {  	[smem:$0x3FB0] =	sst s9;
	s0 =	simm.s32 @!p0 $0x0  }
0x12: {  	s1 =	sld [smem:$0x3F96];
	s0 =	simm.s32 @p0 $0x1  }
0x13: {  	[smem:$0x3FB1] =	sst s0;
	s0 =	simm.s32 @!p1 $0x0  }
0x14: {  	s2 =	sld [smem:$0x3F95];
	s0 =	simm.s32 @p1 $0x1  }
0x15: {  	[smem:$0x3FB2] =	sst s0;
	s0 =	simm.s32 @!p2 $0x0  }
0x16: {  	s3 =	sld [smem:$0x3FDB];
	s0 =	simm.s32 @p2 $0x1  }
0x17: {  	s4 =	simm.s32 $0x1BF5;
	[smem:$0x3FB4] =	sst s0  }
0x18: {  	s0 =	sld [smem:$0x3F97];
	_ =	swait.ge [sflag:s4], $0x0  }
0x19: {  	s7 =	sld [smem:$0x3F98]  }
0x1a: {  	s8 =	sadd.s32 $0xFFFFE003, lr  }
0x1b: {  	s9 =	sadd.s32 $0xFFFFFEF7, lr;
	s5 =	simm.s32 $0xFFFFFFFF;
	p2 =	slt.u32 s8, $0xFFFFF086  }
0x1c: {  	p1 =	slt.u32 s9, $0xF7A;
	s5 =	simm.s32 @!p2 $0x0  }
0x1d: {  	s5 =	simm.s32 @p1 $0x1;
	p0 =	seq.s32 s7, s2  }
0x1e: {  	s7 =	smul.u32 @!p0 $0xF7A, s2;
	p2 =	seq.s32 @!p0 s5, $0x0  }
0x1f: {  	s9 =	smul.u32 $0xF7A, s1;
	s8 =	simm.s32 @!p0 $0x1BF5;
	p2 =	por !p2, p0  }
0x20: {  	[sflag:s8] =	ssyncset.s32 @!p0 $0xFFFFF086;
	s6 =	sadd.s32 @!p0 s3, s7;
	s7 =	simm.s32 @!p0 $0x108  }
0x21: {  	s3 =	sadd.s32 s3, s9;
	s6 =	sadd.s32 @!p0 $0x88, s6;
	s7 =	simm.s32 @p2 $0x1082  }
0x22: {  	[simem:s7], [sflag:s8] =	dma.local @!p0 [hbm:s6], $0xF7A  }
0x23: {  	s9 =	sor.u32 $0xD0000000, s2;
	s6 =	simm.s32 $0x108;
	_ =	swait.ge @!p0 [sflag:s8], $0x0  }
0x24: {  	s3 =	sadd.s32 $0x88, s3;
	s6 =	simm.s32 @!p1 $0x1082;
	[sflag:s4] =	ssyncset.s32 $0xFFFFF086  }
0x25: {  	[simem:s6], [sflag:s4] =	dma.local [hbm:s3], $0xF7A  }
0x26: {  	[smem:$0x3F98] =	sst s1;
	(tag) =	ssettag s2;
	_ =	strace s9  }
0x27: {  	s1 =	sld [smem:$0x3FA8]  }
0x28: {  	s2 =	sld [smem:$0x3FA9]  }
0x29: {  	s4 =	sld [smem:$0x3FAB]  }
0x2a: {  	p0 =	seq.s32 s5, $0x0;
	s5 =	sld [smem:$0x3FAC]  }
0x2b: {  	s6 =	sld [smem:$0x3FAD]  }
0x2c: {  	s7 =	sld [smem:$0x3FAE]  }
0x2d: {  	s3 =	simm.s32 $0x108;
	s8 =	sld [smem:$0x3FAF]  }
0x2e: {  	s3 =	simm.s32 @!p0 $0x1082;
	s9 =	sld [smem:$0x3FB0]  }
0x2f: {  	lr =	sadd.s32 s0, s3;
	s0 =	sld [smem:$0x3FA7]  }
0x30: {  	s3 =	sld [smem:$0x3FAA]  }
0x31: {  	[smem:$0x3FB3] =	sst s10  }
0x32: {  	s10 =	sld [smem:$0x3FB1];
	_ =	sdelay $0x3  }
0x33: {  	p0 =	seq.s32 s10, $0x1;
	s10 =	sld [smem:$0x3FB3];
	_ =	sdelay $0x3  }
0x34: {  	[smem:$0x3FB3] =	sst s10  }
0x35: {  	s10 =	sld [smem:$0x3FB2];
	_ =	sdelay $0x3  }
0x36: {  	p1 =	seq.s32 s10, $0x1;
	s10 =	sld [smem:$0x3FB3];
	_ =	sdelay $0x3  }
0x37: {  	[smem:$0x3FB3] =	sst s10  }
0x38: {  	s10 =	sld [smem:$0x3FB4]  }
0x39: {  	_ = 	snop;
	(pc) =	sbr.ind lr, $3  }
0x3a: {  	_ = 	snop  }
0x3b: {  	_ = 	snop  }
0x3c: {  	p2 =	seq.s32 s10, $0x1;
	s10 =	sld [smem:$0x3FB3]  }
0x3d: {  	_ =	shalt  }
0x3e: {  	_ =	shalt  }
0x3f: {  	_ =	shalt  }
0x40: {  	_ =	shalt  }
0x41: {  	_ =	shalt  }
0x42: {  	_ =	shalt  }
0x43: {  	_ =	shalt  }
0x44: {  	_ =	shalt  }
0x45: {  	_ =	shalt  }
0x46: {  	_ =	shalt  }
0x47: {  	_ =	shalt  }
0x48: {  	_ =	shalt  }
0x49: {  	_ =	shalt  }
0x4a: {  	_ =	shalt  }
0x4b: {  	_ =	shalt  }
0x4c: {  	_ =	shalt  }
0x4d: {  	_ =	shalt  }
0x4e: {  	_ =	shalt  }
0x4f: {  	_ =	shalt  }
0x50: {  	_ =	shalt  }
0x51: {  	_ =	shalt  }
0x52: {  	_ =	shalt  }
0x53: {  	_ =	shalt  }
0x54: {  	_ =	shalt  }
0x55: {  	_ =	shalt  }
0x56: {  	_ =	shalt  }
0x57: {  	_ =	shalt  }
0x58: {  	_ =	shalt  }
0x59: {  	_ =	shalt  }
0x5a: {  	_ =	shalt  }
0x5b: {  	_ =	shalt  }
0x5c: {  	_ =	shalt  }
0x5d: {  	_ =	shalt  }
0x5e: {  	_ =	shalt  }
0x5f: {  	_ =	shalt  }
0x60: {  	_ =	shalt  }
0x61: {  	_ =	shalt  }
0x62: {  	_ =	shalt  }
0x63: {  	_ =	shalt  }
0x64: {  	_ =	shalt  }
0x65: {  	_ =	shalt  }
0x66: {  	_ =	shalt  }
0x67: {  	_ =	shalt  }
0x68: {  	_ =	shalt  }
0x69: {  	_ =	shalt  }
0x6a: {  	_ =	shalt  }
0x6b: {  	_ =	shalt  }
0x6c: {  	_ =	shalt  }
0x6d: {  	_ =	shalt  }
0x6e: {  	_ =	shalt  }
0x6f: {  	_ =	shalt  }
0x70: {  	_ =	shalt  }
0x71: {  	_ =	shalt  }
0x72: {  	_ =	shalt  }
0x73: {  	_ =	shalt  }
0x74: {  	_ =	shalt  }
0x75: {  	_ =	shalt  }
0x76: {  	_ =	shalt  }
0x77: {  	_ =	shalt  }
0x78: {  	_ =	shalt  }
0x79: {  	_ =	shalt  }
0x7a: {  	_ =	shalt  }
0x7b: {  	_ =	shalt  }
0x7c: {  	_ =	shalt  }
0x7d: {  	_ =	shalt  }
0x7e: {  	_ =	shalt  }
0x7f: {  	_ =	shalt  }
0x80: {  	_ =	shalt  }
0x81: {  	_ =	shalt  }
0x82: {  	_ =	shalt  }
0x83: {  	_ =	shalt  }
0x84: {  	_ =	shalt  }
0x85: {  	_ =	shalt  }
0x86: {  	_ =	shalt  }
0x87: {  	_ =	shalt  }
.Lfunc_end0:
.L_simem_size_0:
called_computation_lowered:
.L_overlay_start_0:
0x88: {  	s2 =	sld [smem:$0x3FD9]  }
0x89: {  	s3 =	sld [smem:$0x3FFE];
	_ =	sdelay $0x1  }
0x8a: {  	s1 =	srdreg.scid  }
0x8b: {  	s0 =	sand.u32 $0x1, s1  }
0x8c: {  	s14 =	sshll.u32 s0, $0xA;
	s2 =	sadd.s32 s3, s2  }
0x8d: {  	s2 =	sadd.s32 s2, s14  }
0x8e: {  	[smem:$0x3FBF] =	sst s2  }
0x8f: {  	_ = 	snop  }
0x90: {  	s2 =	sld [smem:$0x3FD0];
	_ =	sdelay $0x2  }
0x91: {  	s15 =	simm.s32 $0xA;
	s4 =	simm.s32 $0x10  }
0x92: {  	[smem:s4], [sflag:s15] =	dma.local [hbm:s2], $0x1  }
0x93: {  	_ =	swait.eq [sflag:s15], $0x1  }
0x94: {  	[sflag:s15] =	ssyncset.done $0x0  }
0x95: {  	[sflag:s15] =	ssyncadd.s32 $0xFFFFFFFF  }
0x96: {  	s16 =	sld [smem:$0x11];
	(tm) =	ssettm $0x1  }
0x97: {  	s17 =	sld [smem:$0x3FFB];
	_ =	sdelay $0x3  }
0x98: {  	_ =	strace s17  }
0x99: {  	s3 =	sld [smem:$0x3FFC];
	_ =	sdelay $0x3  }
0x9a: {  	_ =	strace s3  }
0x9b: {  	s3 =	sld [smem:$0x3FFD];
	_ =	sdelay $0x3  }
0x9c: {  	_ =	strace s3  }
0x9d: {  	_ =	strace $0x8FFFFFFF  }
0x9e: {  	s18 =	sld [smem:$0x3FDB];
	_ =	sdelay $0x1  }
0x9f: {  	s19 =	simm.s32 $_scs_section_size  }
0xa0: {  	s5 =	simm.s32 $_size__tile_overlayer_lowered;
	s6 =	simm.s32 $_tile_overlayer_lowered  }
0xa1: {  	s22 =	simm.s32 $0x1BFF;
	s21 =	sshll.u32 s6, $0x1;
	s3 =	sadd.s32 s19, s18  }
0xa2: {  	s7 =	simm.s32 $0x0;
	s20 =	sshll.u32 s5, $0x1;
	s5 =	sadd.s32 s21, s3  }
0xa3: {  	[timem:s7], [sflag:s22] =	dma.local [hbm:s5], s20  }
0xa4: {  	_ =	swait.ge [sflag:s22], s20  }
0xa5: {  	s4 =	ssub.s32 $0x0, s20;
	[sflag:s22] =	ssyncset.done $0x0  }
0xa6: {  	[sflag:s22] =	ssyncadd.s32 s4;
	_ =	sdelay $0x1  }
0xa7: {  	s23 =	simm.s32 $0x1B8B  }
0xa8: {  	_ =	swait.ge [sflag:s23], $0x1  }
0xa9: {  	[sflag:s23] =	ssyncset.done $0x0  }
0xaa: {  	s25 =	simm.s32 $0x1B8E;
	s24 =	sld [smem:$0x3FFE];
	[sflag:s23] =	ssyncadd.s32 $0xFFFFFFFF  }
0xab: {  	s26 =	simm.s32 $execute0_lowered;
	[smem:$0x3FD2] =	sst s25  }
0xac: {  	s5 =	sshll.u32 s26, $0x1;
	_ =	strace $0x80000046;
	[dreg:$0x1] =	wrdreg $0xFFFFFFFF  }
0xad: {  	s28 =	simm.s32 $_size_execute0_lowered;
	s3 =	sadd.s32 s3, s5;
	[dreg:$0x0] =	wrdreg $0x0  }
0xae: {  	s5 =	sshll.u32 s28, $0x1;
	[dreg:$0x2] =	wrdreg s3  }
0xaf: {  	[dreg:$0x3] =	wrdreg s5  }
0xb0: {  	[dreg:$0x4] =	wrdreg $0xC0  }
0xb1: {  	_ =	task [dreg:s7], $0x5FFFF  }
0xb2: {  	[dreg:$0x1] =	wrdreg $0xFFFFFFFF  }
0xb3: {  	[dreg:$0x0] =	wrdreg $0x60  }
0xb4: {  	[dreg:$0x2] =	wrdreg s16  }
0xb5: {  	[dreg:$0x3] =	wrdreg s24  }
0xb6: {  	[dreg:$0x4] =	wrdreg $0x9  }
0xb7: {  	_ =	task.clear_ibuf [dreg:s7], $0x5FFFF;
	_ =	strace $0x90000046  }
0xb8: {  	s29 =	simm.s32 $0x9;
	_ =	strace $0x80000048  }
0xb9: {  	_ =	swait.ge [sflag:s29], $0x1  }
0xba: {  	[sflag:s29] =	ssyncadd.s32 $0xFFFFFFFF  }
0xbb: {  	_ =	strace $0x90000048  }
0xbc: {  	_ =	sfence  }
0xbd: {  	s30 =	sld [smem:$0x0];
	_ =	sdelay $0x2  }
0xbe: {  	s31 =	sshll.u32 s1, $0xD;
	s1 =	sshrl.u32 s1, $0x2  }
0xbf: {  	s3 =	sand.u32 $0x4000, s31;
	s1 =	sadd.s32 s1, s30  }
0xc0: {  	s0 =	sor.u32 s3, s0;
	s1 =	sshll.u32 s1, $0x11  }
0xc1: {  	s0 =	sor.u32 s1, s0  }
0xc2: {  	s0 =	sadd.s32 $0x8F2B, s0  }
0xc3: {  	[sflag:s0] =	ssyncadd.remote.s32 $0x1  }
0xc4: {  	_ =	sfence.sel $0xFFFF  }
0xc5: {  	[dreg:$0x0] =	wrdreg $0xFFFFFFFF;
	(pc) =	sbr.abs _section_cstart, $3  }
0xc6: {  	[dreg:$0x1] =	wrdreg $0xFFFFFFFF  }
0xc7: {  	_ =	task.clear_ibuf [dreg:s7], $0x2FFFF;
	_ =	strace $0x9FFFFFFF  }
0xc8: {  	(tm) =	ssettm $0x7FFFFFFF  }
0xc9: {  	_ =	shalt  }
tec
execute0_lowered:
.L_overlay_start_1:
0x0: {  	(tag) =	ssettag $0x1  }
0x1: {  	s1 =	srdreg.scid;
	s0 =	stileid.u32  }
0x2: {  	s20 =	sand.u32 $0x1, s1;
	s29 =	sshll.u32 s0, $0x1  }
0x3: {  	s2 =	rddreg [dreg:$0x0];
	s21 =	sor.u32 s20, s29  }
0x4: {  	s22 =	rddreg [dreg:$0x1];
	s4 =	smul.u32 $0x62, s21  }
0x5: {  	s3 =	simm.s32 $0x0;
	s1 =	rddreg [dreg:$0x2]  }
0x6: {  	[smem:$0x7FF] =	sst s3;
	s4 =	sadd.s32 s4, s22  }
0x7: {  	_ =	strace $0x80000047;
	s5 =	sadd.s32 $0x800, s4;
	s4 =	simm.s32 $0x2  }
0x8: {  	[tilespmem:s3], [sflag:$0x2] =	stream.linear.gather [hbm4b:s5+s3], $0x310, $0x38;
	[tilespmem:$0x6510] =	vst v63  }
0x9: {  	_ =	swait.ge [sflag:s4], $0x310  }
0xa: {  	[sflag:s4] =	ssyncset.done $0x0  }
0xb: {  	s6 =	simm.s32 $0x70;
	s7 =	simm.s32 $0x310;
	[sflag:s4] =	ssyncadd.s32 $0xFFFFFCF0  }
0xc: {  	[tilespmem:s7], [sflag:$0x1] =	stream.indirect.gather [hbm4b:s2+s6], $0x20, s3, s6, $0xb8;
	[tilespmem:$0x6510] =	vst v63  }
0xd: {  	s8 =	simm.s32 $0x1110  }
0xe: {  	[tilespmem:s8], [sflag:$0x1] =	stream.indirect.gather [hbm4b:s2+s6], $0x20, s6, s6, $0xb8;
	[tilespmem:$0x6510] =	vst v63  }
0xf: {  	s9 =	simm.s32 $0xE0;
	s10 =	simm.s32 $0x1F10  }
0x10: {  	[tilespmem:s10], [sflag:$0x1] =	stream.indirect.gather [hbm4b:s2+s6], $0x20, s9, s6, $0xb8;
	[tilespmem:$0x6510] =	vst v63  }
0x11: {  	s11 =	simm.s32 $0x150;
	s12 =	simm.s32 $0x2D10  }
0x12: {  	[tilespmem:s12], [sflag:$0x1] =	stream.indirect.gather [hbm4b:s2+s6], $0x20, s11, s6, $0xb8;
	[tilespmem:$0x6510] =	vst v63  }
0x13: {  	s13 =	simm.s32 $0x1C0;
	s14 =	simm.s32 $0x3B10  }
0x14: {  	[tilespmem:s14], [sflag:$0x1] =	stream.indirect.gather [hbm4b:s2+s6], $0x20, s13, s6, $0xb8;
	[tilespmem:$0x6510] =	vst v63  }
0x15: {  	s15 =	simm.s32 $0x230;
	s16 =	simm.s32 $0x4910  }
0x16: {  	[tilespmem:s16], [sflag:$0x1] =	stream.indirect.gather [hbm4b:s2+s6], $0x20, s15, s6, $0xb8;
	[tilespmem:$0x6510] =	vst v63  }
0x17: {  	s17 =	simm.s32 $0x2A0;
	s18 =	simm.s32 $0x5710;
	s19 =	simm.s32 $0x1  }
0x18: {  	[tilespmem:s18], [sflag:$0x1] =	stream.indirect.gather [hbm4b:s2+s6], $0x20, s17, s6, $0xb8;
	[tilespmem:$0x6510] =	vst v63  }
0x19: {  	_ =	swait.ge [sflag:s19], $0xE00  }
0x1a: {  	[sflag:s19] =	ssyncset.done $0x0  }
0x1b: {  	[sflag:s19] =	ssyncadd.s32 $0xFFFFF200  }
0x1c: {  	_ =	swait.ge [sflag:s19], $0xE00  }
0x1d: {  	[sflag:s19] =	ssyncset.done $0x0  }
0x1e: {  	[sflag:s19] =	ssyncadd.s32 $0xFFFFF200  }
0x1f: {  	_ =	swait.ge [sflag:s19], $0xE00  }
0x20: {  	[sflag:s19] =	ssyncset.done $0x0  }
0x21: {  	[sflag:s19] =	ssyncadd.s32 $0xFFFFF200  }
0x22: {  	_ =	swait.ge [sflag:s19], $0xE00  }
0x23: {  	[sflag:s19] =	ssyncset.done $0x0  }
0x24: {  	[sflag:s19] =	ssyncadd.s32 $0xFFFFF200  }
0x25: {  	_ =	swait.ge [sflag:s19], $0xE00  }
0x26: {  	[sflag:s19] =	ssyncset.done $0x0  }
0x27: {  	s20 =	ssub.s32 $0x2, s20;
	[sflag:s19] =	ssyncadd.s32 $0xFFFFF200  }
0x28: {  	s23 =	sshrl.u32 s20, $0x1;
	_ =	swait.ge [sflag:s19], $0xE00  }
0x29: {  	s30 =	ssub.s32 s20, s23;
	[sflag:s19] =	ssyncset.done $0x0  }
0x2a: {  	s21 =	smul.u32 $0xC40, s21;
	s31 =	smax.u32 s30, $0x1;
	[sflag:s19] =	ssyncadd.s32 $0xFFFFF200  }
0x2b: {  	p0 =	sne.s32 s31, $0x1;
	_ =	swait.ge [sflag:s19], $0xE00  }
.Ltmp0:
0x2c: {  	s21 =	sadd.s32 s21, s22;
	[sflag:s19] =	ssyncset.done $0x0;
	(pc) =	sbr.rel @!p0 .LBB2_2-.Ltmp0, $4  }
0x2d: {  	s20 =	sadd.s32 $0x1600, s21;
	[sflag:s19] =	ssyncadd.s32 $0xFFFFF200  }
0x2e: {  	[hbm4b:s20+s3] =	stream.linear.scatter [tilespmem:s7], [sflag:$0x2], $0x6200, $0x38;
	[tilespmem:$0x6510] =	vst v63  }
0x2f: {  	_ =	swait.ge [sflag:s4], $0x6200  }
0x30: {  	s21 =	sadd.s32 $0xFFFFFFFF, s31;
	[sflag:s4] =	ssyncset.done $0x0  }
.LBB2_1:
0x31: {  	p0 =	sne.s32 s21, $0x1;
	s21 =	sadd.s32 $0xFFFFFFFF, s21;
	[sflag:s4] =	ssyncadd.s32 $0xFFFF9E00  }
0x32: {  	[tilespmem:s3], [sflag:$0x2] =	stream.linear.gather [hbm4b:s5+s3], $0x310, $0x38;
	[tilespmem:$0x6510] =	vst v63  }
0x33: {  	_ =	swait.ge [sflag:s4], $0x310  }
0x34: {  	[sflag:s4] =	ssyncset.done $0x0  }
0x35: {  	[sflag:s4] =	ssyncadd.s32 $0xFFFFFCF0  }
0x36: {  	[tilespmem:s7], [sflag:$0x1] =	stream.indirect.gather [hbm4b:s2+s6], $0x20, s3, s6, $0xb8;
	[tilespmem:$0x6510] =	vst v63  }
0x37: {  	_ = 	snop  }
0x38: {  	[tilespmem:s8], [sflag:$0x1] =	stream.indirect.gather [hbm4b:s2+s6], $0x20, s6, s6, $0xb8;
	[tilespmem:$0x6510] =	vst v63  }
0x39: {  	_ = 	snop  }
0x3a: {  	[tilespmem:s10], [sflag:$0x1] =	stream.indirect.gather [hbm4b:s2+s6], $0x20, s9, s6, $0xb8;
	[tilespmem:$0x6510] =	vst v63  }
0x3b: {  	_ = 	snop  }
0x3c: {  	[tilespmem:s12], [sflag:$0x1] =	stream.indirect.gather [hbm4b:s2+s6], $0x20, s11, s6, $0xb8;
	[tilespmem:$0x6510] =	vst v63  }
0x3d: {  	_ = 	snop  }
0x3e: {  	[tilespmem:s14], [sflag:$0x1] =	stream.indirect.gather [hbm4b:s2+s6], $0x20, s13, s6, $0xb8;
	[tilespmem:$0x6510] =	vst v63  }
0x3f: {  	_ = 	snop  }
0x40: {  	[tilespmem:s16], [sflag:$0x1] =	stream.indirect.gather [hbm4b:s2+s6], $0x20, s15, s6, $0xb8;
	[tilespmem:$0x6510] =	vst v63  }
0x41: {  	_ = 	snop  }
0x42: {  	[tilespmem:s18], [sflag:$0x1] =	stream.indirect.gather [hbm4b:s2+s6], $0x20, s17, s6, $0xb8;
	[tilespmem:$0x6510] =	vst v63  }
0x43: {  	_ =	swait.ge [sflag:s19], $0xE00  }
0x44: {  	[sflag:s19] =	ssyncset.done $0x0  }
0x45: {  	[sflag:s19] =	ssyncadd.s32 $0xFFFFF200  }
0x46: {  	_ =	swait.ge [sflag:s19], $0xE00  }
0x47: {  	[sflag:s19] =	ssyncset.done $0x0  }
0x48: {  	[sflag:s19] =	ssyncadd.s32 $0xFFFFF200  }
0x49: {  	_ =	swait.ge [sflag:s19], $0xE00  }
0x4a: {  	[sflag:s19] =	ssyncset.done $0x0  }
0x4b: {  	[sflag:s19] =	ssyncadd.s32 $0xFFFFF200  }
0x4c: {  	_ =	swait.ge [sflag:s19], $0xE00  }
0x4d: {  	[sflag:s19] =	ssyncset.done $0x0  }
0x4e: {  	[sflag:s19] =	ssyncadd.s32 $0xFFFFF200  }
0x4f: {  	_ =	swait.ge [sflag:s19], $0xE00  }
0x50: {  	[sflag:s19] =	ssyncset.done $0x0  }
0x51: {  	[sflag:s19] =	ssyncadd.s32 $0xFFFFF200  }
0x52: {  	_ =	swait.ge [sflag:s19], $0xE00  }
0x53: {  	[sflag:s19] =	ssyncset.done $0x0  }
0x54: {  	[sflag:s19] =	ssyncadd.s32 $0xFFFFF200  }
0x55: {  	_ =	swait.ge [sflag:s19], $0xE00  }
.Ltmp1:
0x56: {  	[sflag:s19] =	ssyncset.done $0x0;
	(pc) =	sbr.rel @p0 .LBB2_1-.Ltmp1, $4  }
0x57: {  	[sflag:s19] =	ssyncadd.s32 $0xFFFFF200  }
0x58: {  	[hbm4b:s20+s3] =	stream.linear.scatter [tilespmem:s7], [sflag:$0x2], $0x6200, $0x38;
	[tilespmem:$0x6510] =	vst v63  }
0x59: {  	_ =	swait.ge [sflag:s4], $0x6200  }
0x5a: {  	[sflag:s4] =	ssyncset.done $0x0  }
.LBB2_2:
0x5b: {  	[sflag:s4] =	ssyncadd.s32 $0xFFFF9E00  }
0x5c: {  	_ =	sfence.sel $0x180000  }
0x5d: {  	[bflag:$0x0] =	sbarrier.arrive $0xFFFF  }
0x5e: {  	p0 =	sne.s32 s0, $0x0;
	_ =	strace $0x90000047  }
0x5f: {  	s0 =	sadd.s32 @!p0 $0x100000, s1;
	[bflag:$0x2] =	sbarrier.arrive $0xFFFF  }
0x60: {  	[sflag:s0] =	ssyncadd.tile.s32 @!p0 $0x1;
	_ =	shalt  }
.Lfunc_end2:
_tile_overlayer_lowered:
.L_overlay_start_2:
0x61: {  	(tag) =	ssettag $0x2  }
0x62: {  	s0 =	rddreg [dreg:$0x0];
	s2 =	stileid.u32  }
0x63: {  	s1 =	rddreg [dreg:$0x1];
	p0 =	sne.s32 s2, $0x0  }
0x64: {  	s3 =	rddreg [dreg:$0x2];
	[bflag:$0x3] =	sbarrier.arrive $0xFFFF;
	s2 =	simm.s32 @!p0 $0x1C02  }
0x65: {  	[timem:s3], [sflag:s2] =	dma.local @!p0 [hbm:s0], s1  }
0x66: {  	s0 =	simm.s32 @!p0 $0x2  }
0x67: {  	_ =	swait.ge @!p0 [sflag:s0], s1  }
0x68: {  	s1 =	ssub.s32 @!p0 $0x0, s1;
	[sflag:s0] =	ssyncset.done @!p0 $0x0  }
0x69: {  	[sflag:s0] =	ssyncadd.s32 @!p0 s1  }
0x6a: {  	[bflag:$0x3] =	sbarrier.arrive $0xFFFF  }
0x6b: {  	_ =	shalt  }

</sc_bundles>
